<compile_context>
chip_gen: v7x
topology: tpu7x:2x2x1
jax: 0.10.2.dev20260603
libtpu: 0.0.44.dev20260713+nightly
codegen_flags: <defaults>
</compile_context>

<pallas_src>
import functools

import jax
import jax.numpy as jnp
from jax import lax
from jax.experimental import pallas as pl
from jax.experimental.pallas import tpu as pltpu
from jax.experimental.pallas import tpu_sc as plsc

_L = 16


def _take(vec, idx):
    return jnp.take_along_axis(vec, idx, axis=0, mode="promise_in_bounds")


def _make_sc_gather(n_rows, n_cols, n_workers, chunk_cols, d, blk_cols=128):
    per_worker = n_rows // n_workers
    n_chunks = per_worker // chunk_cols
    nvec = n_cols * chunk_cols // _L
    rv_per_s = chunk_cols // _L
    per_blk = blk_cols // chunk_cols
    mesh = plsc.VectorSubcoreMesh(core_axis_name="c", subcore_axis_name="s")

    @functools.partial(
        pl.kernel,
        mesh=mesh,
        out_type=jax.ShapeDtypeStruct(
            (n_cols, n_rows // blk_cols, d, blk_cols), jnp.float32
        ),
        scratch_types=[
            pltpu.VMEM((8, d), jnp.float32),
            pltpu.VMEM((n_cols, chunk_cols), jnp.int32),
            pltpu.VMEM((n_cols, chunk_cols), jnp.int32),
            pltpu.VMEM((n_cols, d, chunk_cols), jnp.float32),
            pltpu.VMEM((n_cols, d, chunk_cols), jnp.float32),
            pltpu.SemaphoreType.DMA,
            pltpu.SemaphoreType.DMA,
            pltpu.SemaphoreType.DMA,
            pltpu.SemaphoreType.DMA,
        ],
        compiler_params=pltpu.CompilerParams(
            needs_layout_passes=False, use_tc_tiling_on_sc=False
        ),
    )
    def k(tab_hbm, xt_hbm, out_hbm, tab_v, ib0, ib1, ob0, ob1, si0, si1, so0, so1):
        nc = 2
        wid = lax.axis_index("s") * nc + lax.axis_index("c")
        col0 = wid * per_worker
        pltpu.sync_copy(tab_hbm, tab_v)
        lane = lax.iota(jnp.int32, _L)
        row_pat = lane & 7
        tcols = [
            plsc.load_gather(tab_v, [row_pat, jnp.full((_L,), j, jnp.int32)])
            for j in range(d)
        ]
        sem_in = [si0, si1]
        sem_out = [so0, so1]
        idx_bufs = [ib0, ib1]
        out_bufs = [ob0, ob1]

        def start_in(c):
            return pltpu.async_copy(
                xt_hbm.at[:, pl.ds(col0 + c * chunk_cols, chunk_cols)],
                idx_bufs[c % 2],
                sem_in[c % 2],
            )

        def start_out(c):
            blk = wid * (per_worker // blk_cols) + c // per_blk
            off = (c % per_blk) * chunk_cols
            return pltpu.async_copy(
                out_bufs[c % 2],
                out_hbm.at[:, blk, :, pl.ds(off, chunk_cols)],
                sem_out[c % 2],
            )

        cp_in = {0: start_in(0)}
        cp_out = {}
        for c in range(n_chunks):
            b = c % 2
            if c + 1 < n_chunks:
                cp_in[c + 1] = start_in(c + 1)
            cp_in[c].wait()
            if c >= 2:
                cp_out[c - 2].wait()
            idx_c = idx_bufs[b]
            out_c = out_bufs[b]

            @plsc.parallel_loop(0, nvec, 1, unroll=4)
            def body(q):
                s = q // rv_per_s
                rv = (q - s * rv_per_s) * _L
                xi = idx_c[s, pl.ds(rv, _L)]
                for j in range(d):
                    out_c[s, j, pl.ds(rv, _L)] = _take(tcols[j], xi)

            cp_out[c] = start_out(c)
        cp_out[n_chunks - 2].wait()
        cp_out[n_chunks - 1].wait()

    return k


def kernel(x, table):
    b, s = x.shape
    v, d = table.shape
    xt = jnp.transpose(x).astype(jnp.int32)
    out4 = _make_sc_gather(b, s, 32, 128, d)(table, xt)
    return jnp.transpose(out4, (1, 3, 0, 2)).reshape(b, s, d)

# --- scband reference (transcript-rebuilt; emitter-appended) ---
"""Pipeline reference for scband-gather-embedding-model-7550552506438 (READ-ONLY COPY).

The authoritative reference and input builder live on the scoring server;
editing this copy changes nothing except your own understanding.
"""

import jax, jax.numpy as jnp
import numpy as np


def setup_inputs(seed: int = 0) -> dict:
    key = jax.random.key(seed)
    k_idx, k_tab = jax.random.split(key)
    x = jax.random.randint(k_idx, (16384, 100), 0, 8, dtype=jnp.int64)
    # Embedding table per the module: nn.Embedding(8, 4), weight ~ N(0, 1)
    table = jax.random.normal(k_tab, (8, 4), dtype=jnp.float32)
    return {"x": x, "table": table}


def reference(x, table):
    # nn.Embedding forward == axis-0 gather on the weight matrix
    return jnp.take(table, x, axis=0)

if __name__ == "__main__":
    import jax
    _d = setup_inputs()
    print(jax.jit(kernel)(*tuple(_d.values())))

</pallas_src>

<mosaic_0001>
#map = affine_map<(d0, d1) -> (0, 0)>
#map1 = affine_map<(d0, d1) -> (0, 0, 0, 0)>
module attributes {stable_mosaic.version = 14 : i64} {
  func.func @k(%arg0: i32, %arg1: i32, %arg2: memref<8x4xf32, #tpu.memory_space<hbm>>, %arg3: memref<100x16384xi32, #tpu.memory_space<hbm>>, %arg4: memref<100x128x4x128xf32, #tpu.memory_space<hbm>>, %arg5: memref<8x4xf32, #tpu.memory_space<vmem>>, %arg6: memref<100x128xi32, #tpu.memory_space<vmem>>, %arg7: memref<100x128xi32, #tpu.memory_space<vmem>>, %arg8: memref<100x4x128xf32, #tpu.memory_space<vmem>>, %arg9: memref<100x4x128xf32, #tpu.memory_space<vmem>>, %arg10: memref<!tpu.dma_semaphore, #tpu.memory_space<semaphore_mem>>, %arg11: memref<!tpu.dma_semaphore, #tpu.memory_space<semaphore_mem>>, %arg12: memref<!tpu.dma_semaphore, #tpu.memory_space<semaphore_mem>>, %arg13: memref<!tpu.dma_semaphore, #tpu.memory_space<semaphore_mem>>) attributes {dimension_semantics = [#tpu.dimension_semantics<core_parallel>, #tpu.dimension_semantics<subcore_parallel>], iteration_bounds = array<i64: 2, 16>, scalar_prefetch = 0 : i64, scratch_operands = 9 : i64, tpu.core_type = #tpu.core_type<sc_vector_subcore>, window_params = [{transform_indices = #map}, {transform_indices = #map}, {transform_indices = #map1}]} {
    %mul3A = arith.constant 2 : i32
    %mul3A_0 = arith.muli %arg1, %mul3A : i32
    %add3A = arith.addi %mul3A_0, %arg0 : i32
    %mul3A_1 = arith.constant 512 : i32
    %mul3A_2 = arith.muli %add3A, %mul3A_1 : i32
    "tpu.region"() ({
      %run_scoped3A = tpu.sem_alloc : memref<!tpu.dma_semaphore, #tpu.memory_space<semaphore_mem>>
      tpu.enqueue_dma source(%arg2 : memref<8x4xf32, #tpu.memory_space<hbm>>) target(%arg5 : memref<8x4xf32, #tpu.memory_space<vmem>>) target_semaphore(%run_scoped3A : memref<!tpu.dma_semaphore, #tpu.memory_space<semaphore_mem>>)
      tpu.wait_dma2 semaphore(%run_scoped3A : memref<!tpu.dma_semaphore, #tpu.memory_space<semaphore_mem>>) src(%arg2 : memref<8x4xf32, #tpu.memory_space<hbm>>) dst(%arg5 : memref<8x4xf32, #tpu.memory_space<vmem>>)
      tpu.yield
    }) : () -> ()
    %iota3A = tpu.iota {dimensions = array<i32: 0>} : vector<16xi32>
    %and3A = arith.constant 7 : i32
    %and3A_3 = vector.broadcast %and3A : i32 to vector<16xi32>
    %and3A_4 = arith.andi %iota3A, %and3A_3 : vector<16xi32>
    %broadcast_in_dim3A = arith.constant 0 : i32
    %broadcast_in_dim3A_5 = vector.broadcast %broadcast_in_dim3A : i32 to vector<16xi32>
    %gather3A = tpu.vector_load_idx %arg5[%and3A_4, %broadcast_in_dim3A_5] : memref<8x4xf32, #tpu.memory_space<vmem>>[vector<16xi32>, vector<16xi32>], vector<16xf32>,
    %broadcast_in_dim3A_6 = arith.constant 1 : i32
    %broadcast_in_dim3A_7 = vector.broadcast %broadcast_in_dim3A_6 : i32 to vector<16xi32>
    %gather3A_8 = tpu.vector_load_idx %arg5[%and3A_4, %broadcast_in_dim3A_7] : memref<8x4xf32, #tpu.memory_space<vmem>>[vector<16xi32>, vector<16xi32>], vector<16xf32>,
    %broadcast_in_dim3A_9 = arith.constant 2 : i32
    %broadcast_in_dim3A_10 = vector.broadcast %broadcast_in_dim3A_9 : i32 to vector<16xi32>
    %gather3A_11 = tpu.vector_load_idx %arg5[%and3A_4, %broadcast_in_dim3A_10] : memref<8x4xf32, #tpu.memory_space<vmem>>[vector<16xi32>, vector<16xi32>], vector<16xf32>,
    %broadcast_in_dim3A_12 = arith.constant 3 : i32
    %broadcast_in_dim3A_13 = vector.broadcast %broadcast_in_dim3A_12 : i32 to vector<16xi32>
    %gather3A_14 = tpu.vector_load_idx %arg5[%and3A_4, %broadcast_in_dim3A_13] : memref<8x4xf32, #tpu.memory_space<vmem>>[vector<16xi32>, vector<16xi32>], vector<16xf32>,
    %add3A_15 = arith.constant 0 : i32
    %add3A_16 = arith.addi %mul3A_2, %add3A_15 : i32
    %dma_start3A = arith.constant 0 : i32
    %dma_start3A_17 = tpu.memref_slice %arg3[%dma_start3A, %add3A_16] : memref<100x16384xi32, #tpu.memory_space<hbm>> -> memref<100x128xi32, #tpu.memory_space<hbm>>
    %dma_start3A_18 = arith.constant 0 : i32
    %dma_start3A_19 = tpu.memref_slice %arg3[%dma_start3A_18, %add3A_16] : memref<100x16384xi32, #tpu.memory_space<hbm>> -> memref<100x128xi32, #tpu.memory_space<hbm>>
    tpu.enqueue_dma source(%dma_start3A_19 : memref<100x128xi32, #tpu.memory_space<hbm>>) target(%arg6 : memref<100x128xi32, #tpu.memory_space<vmem>>) target_semaphore(%arg10 : memref<!tpu.dma_semaphore, #tpu.memory_space<semaphore_mem>>)
    %add3A_20 = arith.constant 128 : i32
    %add3A_21 = arith.addi %mul3A_2, %add3A_20 : i32
    %dma_start3A_22 = arith.constant 0 : i32
    %dma_start3A_23 = tpu.memref_slice %arg3[%dma_start3A_22, %add3A_21] : memref<100x16384xi32, #tpu.memory_space<hbm>> -> memref<100x128xi32, #tpu.memory_space<hbm>>
    %dma_start3A_24 = arith.constant 0 : i32
    %dma_start3A_25 = tpu.memref_slice %arg3[%dma_start3A_24, %add3A_21] : memref<100x16384xi32, #tpu.memory_space<hbm>> -> memref<100x128xi32, #tpu.memory_space<hbm>>
    tpu.enqueue_dma source(%dma_start3A_25 : memref<100x128xi32, #tpu.memory_space<hbm>>) target(%arg7 : memref<100x128xi32, #tpu.memory_space<vmem>>) target_semaphore(%arg11 : memref<!tpu.dma_semaphore, #tpu.memory_space<semaphore_mem>>)
    %dma_wait3A = arith.constant 0 : i32
    %dma_wait3A_26 = tpu.memref_slice %arg3[%dma_wait3A, %add3A_16] : memref<100x16384xi32, #tpu.memory_space<hbm>> -> memref<100x128xi32, #tpu.memory_space<hbm>>
    %dma_wait3A_27 = arith.constant 0 : i32
    %dma_wait3A_28 = tpu.memref_slice %arg3[%dma_wait3A_27, %add3A_16] : memref<100x16384xi32, #tpu.memory_space<hbm>> -> memref<100x128xi32, #tpu.memory_space<hbm>>
    tpu.wait_dma2 semaphore(%arg10 : memref<!tpu.dma_semaphore, #tpu.memory_space<semaphore_mem>>) src(%dma_wait3A_28 : memref<100x128xi32, #tpu.memory_space<hbm>>) dst(%arg6 : memref<100x128xi32, #tpu.memory_space<vmem>>)
    %parallel_loop3A = arith.constant 0 : i32
    %parallel_loop3A_29 = arith.constant 800 : i32
    %parallel_loop3A_30 = arith.constant 1 : i32
    scf.for %parallel_loop3A_160 = %parallel_loop3A to %parallel_loop3A_29 step %parallel_loop3A_30  : i32 {
      %parallel_loop3A_161 = arith.constant 8 : i32
      %parallel_loop3A_162 = arith.divsi %parallel_loop3A_160, %parallel_loop3A_161 : i32
      %parallel_loop3A_163 = arith.constant 0 : i32
      %parallel_loop3A_164 = arith.cmpi sgt, %parallel_loop3A_160, %parallel_loop3A_163 : i32
      %parallel_loop3A_165 = arith.extui %parallel_loop3A_164 : i1 to i32
      %parallel_loop3A_166 = arith.constant 0 : i32
      %parallel_loop3A_167 = arith.cmpi slt, %parallel_loop3A_160, %parallel_loop3A_166 : i32
      %parallel_loop3A_168 = arith.extui %parallel_loop3A_167 : i1 to i32
      %parallel_loop3A_169 = arith.subi %parallel_loop3A_165, %parallel_loop3A_168 : i32
      %parallel_loop3A_170 = arith.constant 0 : i32
      %parallel_loop3A_171 = arith.cmpi sgt, %parallel_loop3A_161, %parallel_loop3A_170 : i32
      %parallel_loop3A_172 = arith.extui %parallel_loop3A_171 : i1 to i32
      %parallel_loop3A_173 = arith.constant 0 : i32
      %parallel_loop3A_174 = arith.cmpi slt, %parallel_loop3A_161, %parallel_loop3A_173 : i32
      %parallel_loop3A_175 = arith.extui %parallel_loop3A_174 : i1 to i32
      %parallel_loop3A_176 = arith.subi %parallel_loop3A_172, %parallel_loop3A_175 : i32
      %parallel_loop3A_177 = arith.cmpi ne, %parallel_loop3A_169, %parallel_loop3A_176 : i32
      %parallel_loop3A_178 = arith.remsi %parallel_loop3A_160, %parallel_loop3A_161 : i32
      %parallel_loop3A_179 = arith.constant 0 : i32
      %parallel_loop3A_180 = arith.cmpi ne, %parallel_loop3A_178, %parallel_loop3A_179 : i32
      %parallel_loop3A_181 = arith.andi %parallel_loop3A_177, %parallel_loop3A_180 : i1
      %parallel_loop3A_182 = arith.constant 1 : i32
      %parallel_loop3A_183 = arith.subi %parallel_loop3A_162, %parallel_loop3A_182 : i32
      %parallel_loop3A_184 = arith.select %parallel_loop3A_181, %parallel_loop3A_183, %parallel_loop3A_162 : i32
      %parallel_loop3A_185 = arith.constant 8 : i32
      %parallel_loop3A_186 = arith.muli %parallel_loop3A_184, %parallel_loop3A_185 : i32
      %parallel_loop3A_187 = arith.subi %parallel_loop3A_160, %parallel_loop3A_186 : i32
      %parallel_loop3A_188 = arith.constant 16 : i32
      %parallel_loop3A_189 = arith.muli %parallel_loop3A_187, %parallel_loop3A_188 : i32
      %parallel_loop3A_190 = arith.index_cast %parallel_loop3A_184 : i32 to index
      %parallel_loop3A_191 = arith.index_cast %parallel_loop3A_189 : i32 to index
      %parallel_loop3A_192 = tpu.vector_load %arg6[%parallel_loop3A_190, %parallel_loop3A_191] {strides = array<i32>} : memref<100x128xi32, #tpu.memory_space<vmem>>, vector<16xi32>,
      %parallel_loop3A_193 = vector.shape_cast %parallel_loop3A_192 : vector<16xi32> to vector<16x1xi32>
      %parallel_loop3A_194 = vector.shape_cast %parallel_loop3A_193 : vector<16x1xi32> to vector<16xi32>
      %parallel_loop3A_195 = tpu.dynamic_gather %gather3A[%parallel_loop3A_194] in [0] : vector<16xf32>, vector<16xi32> -> vector<16xf32>
      %parallel_loop3A_196 = arith.constant 0 : i32
      %parallel_loop3A_197 = arith.index_cast %parallel_loop3A_184 : i32 to index
      %parallel_loop3A_198 = arith.index_cast %parallel_loop3A_196 : i32 to index
      %parallel_loop3A_199 = arith.index_cast %parallel_loop3A_189 : i32 to index
      %parallel_loop3A_200 = tpu.vector_load %arg8[%parallel_loop3A_197, %parallel_loop3A_198, %parallel_loop3A_199] {strides = array<i32>} : memref<100x4x128xf32, #tpu.memory_space<vmem>>, vector<16xf32>,
      tpu.vector_store %arg8[%parallel_loop3A_197, %parallel_loop3A_198, %parallel_loop3A_199], %parallel_loop3A_195 {strides = array<i32>} : memref<100x4x128xf32, #tpu.memory_space<vmem>>, vector<16xf32>,
      %parallel_loop3A_201 = vector.shape_cast %parallel_loop3A_192 : vector<16xi32> to vector<16x1xi32>
      %parallel_loop3A_202 = vector.shape_cast %parallel_loop3A_201 : vector<16x1xi32> to vector<16xi32>
      %parallel_loop3A_203 = tpu.dynamic_gather %gather3A_8[%parallel_loop3A_202] in [0] : vector<16xf32>, vector<16xi32> -> vector<16xf32>
      %parallel_loop3A_204 = arith.constant 1 : i32
      %parallel_loop3A_205 = arith.index_cast %parallel_loop3A_184 : i32 to index
      %parallel_loop3A_206 = arith.index_cast %parallel_loop3A_204 : i32 to index
      %parallel_loop3A_207 = arith.index_cast %parallel_loop3A_189 : i32 to index
      %parallel_loop3A_208 = tpu.vector_load %arg8[%parallel_loop3A_205, %parallel_loop3A_206, %parallel_loop3A_207] {strides = array<i32>} : memref<100x4x128xf32, #tpu.memory_space<vmem>>, vector<16xf32>,
      tpu.vector_store %arg8[%parallel_loop3A_205, %parallel_loop3A_206, %parallel_loop3A_207], %parallel_loop3A_203 {strides = array<i32>} : memref<100x4x128xf32, #tpu.memory_space<vmem>>, vector<16xf32>,
      %parallel_loop3A_209 = vector.shape_cast %parallel_loop3A_192 : vector<16xi32> to vector<16x1xi32>
      %parallel_loop3A_210 = vector.shape_cast %parallel_loop3A_209 : vector<16x1xi32> to vector<16xi32>
      %parallel_loop3A_211 = tpu.dynamic_gather %gather3A_11[%parallel_loop3A_210] in [0] : vector<16xf32>, vector<16xi32> -> vector<16xf32>
      %parallel_loop3A_212 = arith.constant 2 : i32
      %parallel_loop3A_213 = arith.index_cast %parallel_loop3A_184 : i32 to index
      %parallel_loop3A_214 = arith.index_cast %parallel_loop3A_212 : i32 to index
      %parallel_loop3A_215 = arith.index_cast %parallel_loop3A_189 : i32 to index
      %parallel_loop3A_216 = tpu.vector_load %arg8[%parallel_loop3A_213, %parallel_loop3A_214, %parallel_loop3A_215] {strides = array<i32>} : memref<100x4x128xf32, #tpu.memory_space<vmem>>, vector<16xf32>,
      tpu.vector_store %arg8[%parallel_loop3A_213, %parallel_loop3A_214, %parallel_loop3A_215], %parallel_loop3A_211 {strides = array<i32>} : memref<100x4x128xf32, #tpu.memory_space<vmem>>, vector<16xf32>,
      %parallel_loop3A_217 = vector.shape_cast %parallel_loop3A_192 : vector<16xi32> to vector<16x1xi32>
      %parallel_loop3A_218 = vector.shape_cast %parallel_loop3A_217 : vector<16x1xi32> to vector<16xi32>
      %parallel_loop3A_219 = tpu.dynamic_gather %gather3A_14[%parallel_loop3A_218] in [0] : vector<16xf32>, vector<16xi32> -> vector<16xf32>
      %parallel_loop3A_220 = arith.constant 3 : i32
      %parallel_loop3A_221 = arith.index_cast %parallel_loop3A_184 : i32 to index
      %parallel_loop3A_222 = arith.index_cast %parallel_loop3A_220 : i32 to index
      %parallel_loop3A_223 = arith.index_cast %parallel_loop3A_189 : i32 to index
      %parallel_loop3A_224 = tpu.vector_load %arg8[%parallel_loop3A_221, %parallel_loop3A_222, %parallel_loop3A_223] {strides = array<i32>} : memref<100x4x128xf32, #tpu.memory_space<vmem>>, vector<16xf32>,
      tpu.vector_store %arg8[%parallel_loop3A_221, %parallel_loop3A_222, %parallel_loop3A_223], %parallel_loop3A_219 {strides = array<i32>} : memref<100x4x128xf32, #tpu.memory_space<vmem>>, vector<16xf32>,
    } {sc.loop_unroll_factor = 4 : i64, sc.parallel_access}
    %mul3A_31 = arith.constant 4 : i32
    %mul3A_32 = arith.muli %add3A, %mul3A_31 : i32
    %add3A_33 = arith.constant 0 : i32
    %add3A_34 = arith.addi %mul3A_32, %add3A_33 : i32
    %dma_start3A_35 = arith.constant 0 : i32
    %dma_start3A_36 = arith.constant 0 : i32
    %dma_start3A_37 = arith.constant 0 : i32
    %dma_start3A_38 = tpu.memref_slice %arg4[%dma_start3A_35, %add3A_34, %dma_start3A_36, %dma_start3A_37] : memref<100x128x4x128xf32, #tpu.memory_space<hbm>> -> memref<100x1x4x128xf32, #tpu.memory_space<hbm>>
    %dma_start3A_39 = tpu.memref_squeeze %dma_start3A_38 : memref<100x1x4x128xf32, #tpu.memory_space<hbm>> -> memref<100x4x128xf32, #tpu.memory_space<hbm>>
    %dma_start3A_40 = arith.constant 0 : i32
    %dma_start3A_41 = arith.constant 0 : i32
    %dma_start3A_42 = arith.constant 0 : i32
    %dma_start3A_43 = tpu.memref_slice %arg4[%dma_start3A_40, %add3A_34, %dma_start3A_41, %dma_start3A_42] : memref<100x128x4x128xf32, #tpu.memory_space<hbm>> -> memref<100x1x4x128xf32, #tpu.memory_space<hbm>>
    %dma_start3A_44 = tpu.memref_squeeze %dma_start3A_43 : memref<100x1x4x128xf32, #tpu.memory_space<hbm>> -> memref<100x4x128xf32, #tpu.memory_space<hbm>>
    tpu.enqueue_dma source(%arg8 : memref<100x4x128xf32, #tpu.memory_space<vmem>>) target(%dma_start3A_44 : memref<100x4x128xf32, #tpu.memory_space<hbm>>) target_semaphore(%arg12 : memref<!tpu.dma_semaphore, #tpu.memory_space<semaphore_mem>>)
    %add3A_45 = arith.constant 256 : i32
    %add3A_46 = arith.addi %mul3A_2, %add3A_45 : i32
    %dma_start3A_47 = arith.constant 0 : i32
    %dma_start3A_48 = tpu.memref_slice %arg3[%dma_start3A_47, %add3A_46] : memref<100x16384xi32, #tpu.memory_space<hbm>> -> memref<100x128xi32, #tpu.memory_space<hbm>>
    %dma_start3A_49 = arith.constant 0 : i32
    %dma_start3A_50 = tpu.memref_slice %arg3[%dma_start3A_49, %add3A_46] : memref<100x16384xi32, #tpu.memory_space<hbm>> -> memref<100x128xi32, #tpu.memory_space<hbm>>
    tpu.enqueue_dma source(%dma_start3A_50 : memref<100x128xi32, #tpu.memory_space<hbm>>) target(%arg6 : memref<100x128xi32, #tpu.memory_space<vmem>>) target_semaphore(%arg10 : memref<!tpu.dma_semaphore, #tpu.memory_space<semaphore_mem>>)
    %dma_wait3A_51 = arith.constant 0 : i32
    %dma_wait3A_52 = tpu.memref_slice %arg3[%dma_wait3A_51, %add3A_21] : memref<100x16384xi32, #tpu.memory_space<hbm>> -> memref<100x128xi32, #tpu.memory_space<hbm>>
    %dma_wait3A_53 = arith.constant 0 : i32
    %dma_wait3A_54 = tpu.memref_slice %arg3[%dma_wait3A_53, %add3A_21] : memref<100x16384xi32, #tpu.memory_space<hbm>> -> memref<100x128xi32, #tpu.memory_space<hbm>>
    tpu.wait_dma2 semaphore(%arg11 : memref<!tpu.dma_semaphore, #tpu.memory_space<semaphore_mem>>) src(%dma_wait3A_54 : memref<100x128xi32, #tpu.memory_space<hbm>>) dst(%arg7 : memref<100x128xi32, #tpu.memory_space<vmem>>)
    %parallel_loop3A_55 = arith.constant 0 : i32
    %parallel_loop3A_56 = arith.constant 800 : i32
    %parallel_loop3A_57 = arith.constant 1 : i32
    scf.for %parallel_loop3A_160 = %parallel_loop3A_55 to %parallel_loop3A_56 step %parallel_loop3A_57  : i32 {
      %parallel_loop3A_161 = arith.constant 8 : i32
      %parallel_loop3A_162 = arith.divsi %parallel_loop3A_160, %parallel_loop3A_161 : i32
      %parallel_loop3A_163 = arith.constant 0 : i32
      %parallel_loop3A_164 = arith.cmpi sgt, %parallel_loop3A_160, %parallel_loop3A_163 : i32
      %parallel_loop3A_165 = arith.extui %parallel_loop3A_164 : i1 to i32
      %parallel_loop3A_166 = arith.constant 0 : i32
      %parallel_loop3A_167 = arith.cmpi slt, %parallel_loop3A_160, %parallel_loop3A_166 : i32
      %parallel_loop3A_168 = arith.extui %parallel_loop3A_167 : i1 to i32
      %parallel_loop3A_169 = arith.subi %parallel_loop3A_165, %parallel_loop3A_168 : i32
      %parallel_loop3A_170 = arith.constant 0 : i32
      %parallel_loop3A_171 = arith.cmpi sgt, %parallel_loop3A_161, %parallel_loop3A_170 : i32
      %parallel_loop3A_172 = arith.extui %parallel_loop3A_171 : i1 to i32
      %parallel_loop3A_173 = arith.constant 0 : i32
      %parallel_loop3A_174 = arith.cmpi slt, %parallel_loop3A_161, %parallel_loop3A_173 : i32
      %parallel_loop3A_175 = arith.extui %parallel_loop3A_174 : i1 to i32
      %parallel_loop3A_176 = arith.subi %parallel_loop3A_172, %parallel_loop3A_175 : i32
      %parallel_loop3A_177 = arith.cmpi ne, %parallel_loop3A_169, %parallel_loop3A_176 : i32
      %parallel_loop3A_178 = arith.remsi %parallel_loop3A_160, %parallel_loop3A_161 : i32
      %parallel_loop3A_179 = arith.constant 0 : i32
      %parallel_loop3A_180 = arith.cmpi ne, %parallel_loop3A_178, %parallel_loop3A_179 : i32
      %parallel_loop3A_181 = arith.andi %parallel_loop3A_177, %parallel_loop3A_180 : i1
      %parallel_loop3A_182 = arith.constant 1 : i32
      %parallel_loop3A_183 = arith.subi %parallel_loop3A_162, %parallel_loop3A_182 : i32
      %parallel_loop3A_184 = arith.select %parallel_loop3A_181, %parallel_loop3A_183, %parallel_loop3A_162 : i32
      %parallel_loop3A_185 = arith.constant 8 : i32
      %parallel_loop3A_186 = arith.muli %parallel_loop3A_184, %parallel_loop3A_185 : i32
      %parallel_loop3A_187 = arith.subi %parallel_loop3A_160, %parallel_loop3A_186 : i32
      %parallel_loop3A_188 = arith.constant 16 : i32
      %parallel_loop3A_189 = arith.muli %parallel_loop3A_187, %parallel_loop3A_188 : i32
      %parallel_loop3A_190 = arith.index_cast %parallel_loop3A_184 : i32 to index
      %parallel_loop3A_191 = arith.index_cast %parallel_loop3A_189 : i32 to index
      %parallel_loop3A_192 = tpu.vector_load %arg7[%parallel_loop3A_190, %parallel_loop3A_191] {strides = array<i32>} : memref<100x128xi32, #tpu.memory_space<vmem>>, vector<16xi32>,
      %parallel_loop3A_193 = vector.shape_cast %parallel_loop3A_192 : vector<16xi32> to vector<16x1xi32>
      %parallel_loop3A_194 = vector.shape_cast %parallel_loop3A_193 : vector<16x1xi32> to vector<16xi32>
      %parallel_loop3A_195 = tpu.dynamic_gather %gather3A[%parallel_loop3A_194] in [0] : vector<16xf32>, vector<16xi32> -> vector<16xf32>
      %parallel_loop3A_196 = arith.constant 0 : i32
      %parallel_loop3A_197 = arith.index_cast %parallel_loop3A_184 : i32 to index
      %parallel_loop3A_198 = arith.index_cast %parallel_loop3A_196 : i32 to index
      %parallel_loop3A_199 = arith.index_cast %parallel_loop3A_189 : i32 to index
      %parallel_loop3A_200 = tpu.vector_load %arg9[%parallel_loop3A_197, %parallel_loop3A_198, %parallel_loop3A_199] {strides = array<i32>} : memref<100x4x128xf32, #tpu.memory_space<vmem>>, vector<16xf32>,
      tpu.vector_store %arg9[%parallel_loop3A_197, %parallel_loop3A_198, %parallel_loop3A_199], %parallel_loop3A_195 {strides = array<i32>} : memref<100x4x128xf32, #tpu.memory_space<vmem>>, vector<16xf32>,
      %parallel_loop3A_201 = vector.shape_cast %parallel_loop3A_192 : vector<16xi32> to vector<16x1xi32>
      %parallel_loop3A_202 = vector.shape_cast %parallel_loop3A_201 : vector<16x1xi32> to vector<16xi32>
      %parallel_loop3A_203 = tpu.dynamic_gather %gather3A_8[%parallel_loop3A_202] in [0] : vector<16xf32>, vector<16xi32> -> vector<16xf32>
      %parallel_loop3A_204 = arith.constant 1 : i32
      %parallel_loop3A_205 = arith.index_cast %parallel_loop3A_184 : i32 to index
      %parallel_loop3A_206 = arith.index_cast %parallel_loop3A_204 : i32 to index
      %parallel_loop3A_207 = arith.index_cast %parallel_loop3A_189 : i32 to index
      %parallel_loop3A_208 = tpu.vector_load %arg9[%parallel_loop3A_205, %parallel_loop3A_206, %parallel_loop3A_207] {strides = array<i32>} : memref<100x4x128xf32, #tpu.memory_space<vmem>>, vector<16xf32>,
      tpu.vector_store %arg9[%parallel_loop3A_205, %parallel_loop3A_206, %parallel_loop3A_207], %parallel_loop3A_203 {strides = array<i32>} : memref<100x4x128xf32, #tpu.memory_space<vmem>>, vector<16xf32>,
      %parallel_loop3A_209 = vector.shape_cast %parallel_loop3A_192 : vector<16xi32> to vector<16x1xi32>
      %parallel_loop3A_210 = vector.shape_cast %parallel_loop3A_209 : vector<16x1xi32> to vector<16xi32>
      %parallel_loop3A_211 = tpu.dynamic_gather %gather3A_11[%parallel_loop3A_210] in [0] : vector<16xf32>, vector<16xi32> -> vector<16xf32>
      %parallel_loop3A_212 = arith.constant 2 : i32
      %parallel_loop3A_213 = arith.index_cast %parallel_loop3A_184 : i32 to index
      %parallel_loop3A_214 = arith.index_cast %parallel_loop3A_212 : i32 to index
      %parallel_loop3A_215 = arith.index_cast %parallel_loop3A_189 : i32 to index
      %parallel_loop3A_216 = tpu.vector_load %arg9[%parallel_loop3A_213, %parallel_loop3A_214, %parallel_loop3A_215] {strides = array<i32>} : memref<100x4x128xf32, #tpu.memory_space<vmem>>, vector<16xf32>,
      tpu.vector_store %arg9[%parallel_loop3A_213, %parallel_loop3A_214, %parallel_loop3A_215], %parallel_loop3A_211 {strides = array<i32>} : memref<100x4x128xf32, #tpu.memory_space<vmem>>, vector<16xf32>,
      %parallel_loop3A_217 = vector.shape_cast %parallel_loop3A_192 : vector<16xi32> to vector<16x1xi32>
      %parallel_loop3A_218 = vector.shape_cast %parallel_loop3A_217 : vector<16x1xi32> to vector<16xi32>
      %parallel_loop3A_219 = tpu.dynamic_gather %gather3A_14[%parallel_loop3A_218] in [0] : vector<16xf32>, vector<16xi32> -> vector<16xf32>
      %parallel_loop3A_220 = arith.constant 3 : i32
      %parallel_loop3A_221 = arith.index_cast %parallel_loop3A_184 : i32 to index
      %parallel_loop3A_222 = arith.index_cast %parallel_loop3A_220 : i32 to index
      %parallel_loop3A_223 = arith.index_cast %parallel_loop3A_189 : i32 to index
      %parallel_loop3A_224 = tpu.vector_load %arg9[%parallel_loop3A_221, %parallel_loop3A_222, %parallel_loop3A_223] {strides = array<i32>} : memref<100x4x128xf32, #tpu.memory_space<vmem>>, vector<16xf32>,
      tpu.vector_store %arg9[%parallel_loop3A_221, %parallel_loop3A_222, %parallel_loop3A_223], %parallel_loop3A_219 {strides = array<i32>} : memref<100x4x128xf32, #tpu.memory_space<vmem>>, vector<16xf32>,
    } {sc.loop_unroll_factor = 4 : i64, sc.parallel_access}
    %mul3A_58 = arith.constant 4 : i32
    %mul3A_59 = arith.muli %add3A, %mul3A_58 : i32
    %add3A_60 = arith.constant 1 : i32
    %add3A_61 = arith.addi %mul3A_59, %add3A_60 : i32
    %dma_start3A_62 = arith.constant 0 : i32
    %dma_start3A_63 = arith.constant 0 : i32
    %dma_start3A_64 = arith.constant 0 : i32
    %dma_start3A_65 = tpu.memref_slice %arg4[%dma_start3A_62, %add3A_61, %dma_start3A_63, %dma_start3A_64] : memref<100x128x4x128xf32, #tpu.memory_space<hbm>> -> memref<100x1x4x128xf32, #tpu.memory_space<hbm>>
    %dma_start3A_66 = tpu.memref_squeeze %dma_start3A_65 : memref<100x1x4x128xf32, #tpu.memory_space<hbm>> -> memref<100x4x128xf32, #tpu.memory_space<hbm>>
    %dma_start3A_67 = arith.constant 0 : i32
    %dma_start3A_68 = arith.constant 0 : i32
    %dma_start3A_69 = arith.constant 0 : i32
    %dma_start3A_70 = tpu.memref_slice %arg4[%dma_start3A_67, %add3A_61, %dma_start3A_68, %dma_start3A_69] : memref<100x128x4x128xf32, #tpu.memory_space<hbm>> -> memref<100x1x4x128xf32, #tpu.memory_space<hbm>>
    %dma_start3A_71 = tpu.memref_squeeze %dma_start3A_70 : memref<100x1x4x128xf32, #tpu.memory_space<hbm>> -> memref<100x4x128xf32, #tpu.memory_space<hbm>>
    tpu.enqueue_dma source(%arg9 : memref<100x4x128xf32, #tpu.memory_space<vmem>>) target(%dma_start3A_71 : memref<100x4x128xf32, #tpu.memory_space<hbm>>) target_semaphore(%arg13 : memref<!tpu.dma_semaphore, #tpu.memory_space<semaphore_mem>>)
    %add3A_72 = arith.constant 384 : i32
    %add3A_73 = arith.addi %mul3A_2, %add3A_72 : i32
    %dma_start3A_74 = arith.constant 0 : i32
    %dma_start3A_75 = tpu.memref_slice %arg3[%dma_start3A_74, %add3A_73] : memref<100x16384xi32, #tpu.memory_space<hbm>> -> memref<100x128xi32, #tpu.memory_space<hbm>>
    %dma_start3A_76 = arith.constant 0 : i32
    %dma_start3A_77 = tpu.memref_slice %arg3[%dma_start3A_76, %add3A_73] : memref<100x16384xi32, #tpu.memory_space<hbm>> -> memref<100x128xi32, #tpu.memory_space<hbm>>
    tpu.enqueue_dma source(%dma_start3A_77 : memref<100x128xi32, #tpu.memory_space<hbm>>) target(%arg7 : memref<100x128xi32, #tpu.memory_space<vmem>>) target_semaphore(%arg11 : memref<!tpu.dma_semaphore, #tpu.memory_space<semaphore_mem>>)
    %dma_wait3A_78 = arith.constant 0 : i32
    %dma_wait3A_79 = tpu.memref_slice %arg3[%dma_wait3A_78, %add3A_46] : memref<100x16384xi32, #tpu.memory_space<hbm>> -> memref<100x128xi32, #tpu.memory_space<hbm>>
    %dma_wait3A_80 = arith.constant 0 : i32
    %dma_wait3A_81 = tpu.memref_slice %arg3[%dma_wait3A_80, %add3A_46] : memref<100x16384xi32, #tpu.memory_space<hbm>> -> memref<100x128xi32, #tpu.memory_space<hbm>>
    tpu.wait_dma2 semaphore(%arg10 : memref<!tpu.dma_semaphore, #tpu.memory_space<semaphore_mem>>) src(%dma_wait3A_81 : memref<100x128xi32, #tpu.memory_space<hbm>>) dst(%arg6 : memref<100x128xi32, #tpu.memory_space<vmem>>)
    %dma_wait3A_82 = arith.constant 0 : i32
    %dma_wait3A_83 = arith.constant 0 : i32
    %dma_wait3A_84 = arith.constant 0 : i32
    %dma_wait3A_85 = tpu.memref_slice %arg4[%dma_wait3A_82, %add3A_34, %dma_wait3A_83, %dma_wait3A_84] : memref<100x128x4x128xf32, #tpu.memory_space<hbm>> -> memref<100x1x4x128xf32, #tpu.memory_space<hbm>>
    %dma_wait3A_86 = tpu.memref_squeeze %dma_wait3A_85 : memref<100x1x4x128xf32, #tpu.memory_space<hbm>> -> memref<100x4x128xf32, #tpu.memory_space<hbm>>
    %dma_wait3A_87 = arith.constant 0 : i32
    %dma_wait3A_88 = arith.constant 0 : i32
    %dma_wait3A_89 = arith.constant 0 : i32
    %dma_wait3A_90 = tpu.memref_slice %arg4[%dma_wait3A_87, %add3A_34, %dma_wait3A_88, %dma_wait3A_89] : memref<100x128x4x128xf32, #tpu.memory_space<hbm>> -> memref<100x1x4x128xf32, #tpu.memory_space<hbm>>
    %dma_wait3A_91 = tpu.memref_squeeze %dma_wait3A_90 : memref<100x1x4x128xf32, #tpu.memory_space<hbm>> -> memref<100x4x128xf32, #tpu.memory_space<hbm>>
    tpu.wait_dma2 semaphore(%arg12 : memref<!tpu.dma_semaphore, #tpu.memory_space<semaphore_mem>>) src(%arg8 : memref<100x4x128xf32, #tpu.memory_space<vmem>>) dst(%dma_wait3A_91 : memref<100x4x128xf32, #tpu.memory_space<hbm>>)
    %parallel_loop3A_92 = arith.constant 0 : i32
    %parallel_loop3A_93 = arith.constant 800 : i32
    %parallel_loop3A_94 = arith.constant 1 : i32
    scf.for %parallel_loop3A_160 = %parallel_loop3A_92 to %parallel_loop3A_93 step %parallel_loop3A_94  : i32 {
      %parallel_loop3A_161 = arith.constant 8 : i32
      %parallel_loop3A_162 = arith.divsi %parallel_loop3A_160, %parallel_loop3A_161 : i32
      %parallel_loop3A_163 = arith.constant 0 : i32
      %parallel_loop3A_164 = arith.cmpi sgt, %parallel_loop3A_160, %parallel_loop3A_163 : i32
      %parallel_loop3A_165 = arith.extui %parallel_loop3A_164 : i1 to i32
      %parallel_loop3A_166 = arith.constant 0 : i32
      %parallel_loop3A_167 = arith.cmpi slt, %parallel_loop3A_160, %parallel_loop3A_166 : i32
      %parallel_loop3A_168 = arith.extui %parallel_loop3A_167 : i1 to i32
      %parallel_loop3A_169 = arith.subi %parallel_loop3A_165, %parallel_loop3A_168 : i32
      %parallel_loop3A_170 = arith.constant 0 : i32
      %parallel_loop3A_171 = arith.cmpi sgt, %parallel_loop3A_161, %parallel_loop3A_170 : i32
      %parallel_loop3A_172 = arith.extui %parallel_loop3A_171 : i1 to i32
      %parallel_loop3A_173 = arith.constant 0 : i32
      %parallel_loop3A_174 = arith.cmpi slt, %parallel_loop3A_161, %parallel_loop3A_173 : i32
      %parallel_loop3A_175 = arith.extui %parallel_loop3A_174 : i1 to i32
      %parallel_loop3A_176 = arith.subi %parallel_loop3A_172, %parallel_loop3A_175 : i32
      %parallel_loop3A_177 = arith.cmpi ne, %parallel_loop3A_169, %parallel_loop3A_176 : i32
      %parallel_loop3A_178 = arith.remsi %parallel_loop3A_160, %parallel_loop3A_161 : i32
      %parallel_loop3A_179 = arith.constant 0 : i32
      %parallel_loop3A_180 = arith.cmpi ne, %parallel_loop3A_178, %parallel_loop3A_179 : i32
      %parallel_loop3A_181 = arith.andi %parallel_loop3A_177, %parallel_loop3A_180 : i1
      %parallel_loop3A_182 = arith.constant 1 : i32
      %parallel_loop3A_183 = arith.subi %parallel_loop3A_162, %parallel_loop3A_182 : i32
      %parallel_loop3A_184 = arith.select %parallel_loop3A_181, %parallel_loop3A_183, %parallel_loop3A_162 : i32
      %parallel_loop3A_185 = arith.constant 8 : i32
      %parallel_loop3A_186 = arith.muli %parallel_loop3A_184, %parallel_loop3A_185 : i32
      %parallel_loop3A_187 = arith.subi %parallel_loop3A_160, %parallel_loop3A_186 : i32
      %parallel_loop3A_188 = arith.constant 16 : i32
      %parallel_loop3A_189 = arith.muli %parallel_loop3A_187, %parallel_loop3A_188 : i32
      %parallel_loop3A_190 = arith.index_cast %parallel_loop3A_184 : i32 to index
      %parallel_loop3A_191 = arith.index_cast %parallel_loop3A_189 : i32 to index
      %parallel_loop3A_192 = tpu.vector_load %arg6[%parallel_loop3A_190, %parallel_loop3A_191] {strides = array<i32>} : memref<100x128xi32, #tpu.memory_space<vmem>>, vector<16xi32>,
      %parallel_loop3A_193 = vector.shape_cast %parallel_loop3A_192 : vector<16xi32> to vector<16x1xi32>
      %parallel_loop3A_194 = vector.shape_cast %parallel_loop3A_193 : vector<16x1xi32> to vector<16xi32>
      %parallel_loop3A_195 = tpu.dynamic_gather %gather3A[%parallel_loop3A_194] in [0] : vector<16xf32>, vector<16xi32> -> vector<16xf32>
      %parallel_loop3A_196 = arith.constant 0 : i32
      %parallel_loop3A_197 = arith.index_cast %parallel_loop3A_184 : i32 to index
      %parallel_loop3A_198 = arith.index_cast %parallel_loop3A_196 : i32 to index
      %parallel_loop3A_199 = arith.index_cast %parallel_loop3A_189 : i32 to index
      %parallel_loop3A_200 = tpu.vector_load %arg8[%parallel_loop3A_197, %parallel_loop3A_198, %parallel_loop3A_199] {strides = array<i32>} : memref<100x4x128xf32, #tpu.memory_space<vmem>>, vector<16xf32>,
      tpu.vector_store %arg8[%parallel_loop3A_197, %parallel_loop3A_198, %parallel_loop3A_199], %parallel_loop3A_195 {strides = array<i32>} : memref<100x4x128xf32, #tpu.memory_space<vmem>>, vector<16xf32>,
      %parallel_loop3A_201 = vector.shape_cast %parallel_loop3A_192 : vector<16xi32> to vector<16x1xi32>
      %parallel_loop3A_202 = vector.shape_cast %parallel_loop3A_201 : vector<16x1xi32> to vector<16xi32>
      %parallel_loop3A_203 = tpu.dynamic_gather %gather3A_8[%parallel_loop3A_202] in [0] : vector<16xf32>, vector<16xi32> -> vector<16xf32>
      %parallel_loop3A_204 = arith.constant 1 : i32
      %parallel_loop3A_205 = arith.index_cast %parallel_loop3A_184 : i32 to index
      %parallel_loop3A_206 = arith.index_cast %parallel_loop3A_204 : i32 to index
      %parallel_loop3A_207 = arith.index_cast %parallel_loop3A_189 : i32 to index
      %parallel_loop3A_208 = tpu.vector_load %arg8[%parallel_loop3A_205, %parallel_loop3A_206, %parallel_loop3A_207] {strides = array<i32>} : memref<100x4x128xf32, #tpu.memory_space<vmem>>, vector<16xf32>,
      tpu.vector_store %arg8[%parallel_loop3A_205, %parallel_loop3A_206, %parallel_loop3A_207], %parallel_loop3A_203 {strides = array<i32>} : memref<100x4x128xf32, #tpu.memory_space<vmem>>, vector<16xf32>,
      %parallel_loop3A_209 = vector.shape_cast %parallel_loop3A_192 : vector<16xi32> to vector<16x1xi32>
      %parallel_loop3A_210 = vector.shape_cast %parallel_loop3A_209 : vector<16x1xi32> to vector<16xi32>
      %parallel_loop3A_211 = tpu.dynamic_gather %gather3A_11[%parallel_loop3A_210] in [0] : vector<16xf32>, vector<16xi32> -> vector<16xf32>
      %parallel_loop3A_212 = arith.constant 2 : i32
      %parallel_loop3A_213 = arith.index_cast %parallel_loop3A_184 : i32 to index
      %parallel_loop3A_214 = arith.index_cast %parallel_loop3A_212 : i32 to index
      %parallel_loop3A_215 = arith.index_cast %parallel_loop3A_189 : i32 to index
      %parallel_loop3A_216 = tpu.vector_load %arg8[%parallel_loop3A_213, %parallel_loop3A_214, %parallel_loop3A_215] {strides = array<i32>} : memref<100x4x128xf32, #tpu.memory_space<vmem>>, vector<16xf32>,
      tpu.vector_store %arg8[%parallel_loop3A_213, %parallel_loop3A_214, %parallel_loop3A_215], %parallel_loop3A_211 {strides = array<i32>} : memref<100x4x128xf32, #tpu.memory_space<vmem>>, vector<16xf32>,
      %parallel_loop3A_217 = vector.shape_cast %parallel_loop3A_192 : vector<16xi32> to vector<16x1xi32>
      %parallel_loop3A_218 = vector.shape_cast %parallel_loop3A_217 : vector<16x1xi32> to vector<16xi32>
      %parallel_loop3A_219 = tpu.dynamic_gather %gather3A_14[%parallel_loop3A_218] in [0] : vector<16xf32>, vector<16xi32> -> vector<16xf32>
      %parallel_loop3A_220 = arith.constant 3 : i32
      %parallel_loop3A_221 = arith.index_cast %parallel_loop3A_184 : i32 to index
      %parallel_loop3A_222 = arith.index_cast %parallel_loop3A_220 : i32 to index
      %parallel_loop3A_223 = arith.index_cast %parallel_loop3A_189 : i32 to index
      %parallel_loop3A_224 = tpu.vector_load %arg8[%parallel_loop3A_221, %parallel_loop3A_222, %parallel_loop3A_223] {strides = array<i32>} : memref<100x4x128xf32, #tpu.memory_space<vmem>>, vector<16xf32>,
      tpu.vector_store %arg8[%parallel_loop3A_221, %parallel_loop3A_222, %parallel_loop3A_223], %parallel_loop3A_219 {strides = array<i32>} : memref<100x4x128xf32, #tpu.memory_space<vmem>>, vector<16xf32>,
    } {sc.loop_unroll_factor = 4 : i64, sc.parallel_access}
    %mul3A_95 = arith.constant 4 : i32
    %mul3A_96 = arith.muli %add3A, %mul3A_95 : i32
    %add3A_97 = arith.constant 2 : i32
    %add3A_98 = arith.addi %mul3A_96, %add3A_97 : i32
    %dma_start3A_99 = arith.constant 0 : i32
    %dma_start3A_100 = arith.constant 0 : i32
    %dma_start3A_101 = arith.constant 0 : i32
    %dma_start3A_102 = tpu.memref_slice %arg4[%dma_start3A_99, %add3A_98, %dma_start3A_100, %dma_start3A_101] : memref<100x128x4x128xf32, #tpu.memory_space<hbm>> -> memref<100x1x4x128xf32, #tpu.memory_space<hbm>>
    %dma_start3A_103 = tpu.memref_squeeze %dma_start3A_102 : memref<100x1x4x128xf32, #tpu.memory_space<hbm>> -> memref<100x4x128xf32, #tpu.memory_space<hbm>>
    %dma_start3A_104 = arith.constant 0 : i32
    %dma_start3A_105 = arith.constant 0 : i32
    %dma_start3A_106 = arith.constant 0 : i32
    %dma_start3A_107 = tpu.memref_slice %arg4[%dma_start3A_104, %add3A_98, %dma_start3A_105, %dma_start3A_106] : memref<100x128x4x128xf32, #tpu.memory_space<hbm>> -> memref<100x1x4x128xf32, #tpu.memory_space<hbm>>
    %dma_start3A_108 = tpu.memref_squeeze %dma_start3A_107 : memref<100x1x4x128xf32, #tpu.memory_space<hbm>> -> memref<100x4x128xf32, #tpu.memory_space<hbm>>
    tpu.enqueue_dma source(%arg8 : memref<100x4x128xf32, #tpu.memory_space<vmem>>) target(%dma_start3A_108 : memref<100x4x128xf32, #tpu.memory_space<hbm>>) target_semaphore(%arg12 : memref<!tpu.dma_semaphore, #tpu.memory_space<semaphore_mem>>)
    %dma_wait3A_109 = arith.constant 0 : i32
    %dma_wait3A_110 = tpu.memref_slice %arg3[%dma_wait3A_109, %add3A_73] : memref<100x16384xi32, #tpu.memory_space<hbm>> -> memref<100x128xi32, #tpu.memory_space<hbm>>
    %dma_wait3A_111 = arith.constant 0 : i32
    %dma_wait3A_112 = tpu.memref_slice %arg3[%dma_wait3A_111, %add3A_73] : memref<100x16384xi32, #tpu.memory_space<hbm>> -> memref<100x128xi32, #tpu.memory_space<hbm>>
    tpu.wait_dma2 semaphore(%arg11 : memref<!tpu.dma_semaphore, #tpu.memory_space<semaphore_mem>>) src(%dma_wait3A_112 : memref<100x128xi32, #tpu.memory_space<hbm>>) dst(%arg7 : memref<100x128xi32, #tpu.memory_space<vmem>>)
    %dma_wait3A_113 = arith.constant 0 : i32
    %dma_wait3A_114 = arith.constant 0 : i32
    %dma_wait3A_115 = arith.constant 0 : i32
    %dma_wait3A_116 = tpu.memref_slice %arg4[%dma_wait3A_113, %add3A_61, %dma_wait3A_114, %dma_wait3A_115] : memref<100x128x4x128xf32, #tpu.memory_space<hbm>> -> memref<100x1x4x128xf32, #tpu.memory_space<hbm>>
    %dma_wait3A_117 = tpu.memref_squeeze %dma_wait3A_116 : memref<100x1x4x128xf32, #tpu.memory_space<hbm>> -> memref<100x4x128xf32, #tpu.memory_space<hbm>>
    %dma_wait3A_118 = arith.constant 0 : i32
    %dma_wait3A_119 = arith.constant 0 : i32
    %dma_wait3A_120 = arith.constant 0 : i32
    %dma_wait3A_121 = tpu.memref_slice %arg4[%dma_wait3A_118, %add3A_61, %dma_wait3A_119, %dma_wait3A_120] : memref<100x128x4x128xf32, #tpu.memory_space<hbm>> -> memref<100x1x4x128xf32, #tpu.memory_space<hbm>>
    %dma_wait3A_122 = tpu.memref_squeeze %dma_wait3A_121 : memref<100x1x4x128xf32, #tpu.memory_space<hbm>> -> memref<100x4x128xf32, #tpu.memory_space<hbm>>
    tpu.wait_dma2 semaphore(%arg13 : memref<!tpu.dma_semaphore, #tpu.memory_space<semaphore_mem>>) src(%arg9 : memref<100x4x128xf32, #tpu.memory_space<vmem>>) dst(%dma_wait3A_122 : memref<100x4x128xf32, #tpu.memory_space<hbm>>)
    %parallel_loop3A_123 = arith.constant 0 : i32
    %parallel_loop3A_124 = arith.constant 800 : i32
    %parallel_loop3A_125 = arith.constant 1 : i32
    scf.for %parallel_loop3A_160 = %parallel_loop3A_123 to %parallel_loop3A_124 step %parallel_loop3A_125  : i32 {
      %parallel_loop3A_161 = arith.constant 8 : i32
      %parallel_loop3A_162 = arith.divsi %parallel_loop3A_160, %parallel_loop3A_161 : i32
      %parallel_loop3A_163 = arith.constant 0 : i32
      %parallel_loop3A_164 = arith.cmpi sgt, %parallel_loop3A_160, %parallel_loop3A_163 : i32
      %parallel_loop3A_165 = arith.extui %parallel_loop3A_164 : i1 to i32
      %parallel_loop3A_166 = arith.constant 0 : i32
      %parallel_loop3A_167 = arith.cmpi slt, %parallel_loop3A_160, %parallel_loop3A_166 : i32
      %parallel_loop3A_168 = arith.extui %parallel_loop3A_167 : i1 to i32
      %parallel_loop3A_169 = arith.subi %parallel_loop3A_165, %parallel_loop3A_168 : i32
      %parallel_loop3A_170 = arith.constant 0 : i32
      %parallel_loop3A_171 = arith.cmpi sgt, %parallel_loop3A_161, %parallel_loop3A_170 : i32
      %parallel_loop3A_172 = arith.extui %parallel_loop3A_171 : i1 to i32
      %parallel_loop3A_173 = arith.constant 0 : i32
      %parallel_loop3A_174 = arith.cmpi slt, %parallel_loop3A_161, %parallel_loop3A_173 : i32
      %parallel_loop3A_175 = arith.extui %parallel_loop3A_174 : i1 to i32
      %parallel_loop3A_176 = arith.subi %parallel_loop3A_172, %parallel_loop3A_175 : i32
      %parallel_loop3A_177 = arith.cmpi ne, %parallel_loop3A_169, %parallel_loop3A_176 : i32
      %parallel_loop3A_178 = arith.remsi %parallel_loop3A_160, %parallel_loop3A_161 : i32
      %parallel_loop3A_179 = arith.constant 0 : i32
      %parallel_loop3A_180 = arith.cmpi ne, %parallel_loop3A_178, %parallel_loop3A_179 : i32
      %parallel_loop3A_181 = arith.andi %parallel_loop3A_177, %parallel_loop3A_180 : i1
      %parallel_loop3A_182 = arith.constant 1 : i32
      %parallel_loop3A_183 = arith.subi %parallel_loop3A_162, %parallel_loop3A_182 : i32
      %parallel_loop3A_184 = arith.select %parallel_loop3A_181, %parallel_loop3A_183, %parallel_loop3A_162 : i32
      %parallel_loop3A_185 = arith.constant 8 : i32
      %parallel_loop3A_186 = arith.muli %parallel_loop3A_184, %parallel_loop3A_185 : i32
      %parallel_loop3A_187 = arith.subi %parallel_loop3A_160, %parallel_loop3A_186 : i32
      %parallel_loop3A_188 = arith.constant 16 : i32
      %parallel_loop3A_189 = arith.muli %parallel_loop3A_187, %parallel_loop3A_188 : i32
      %parallel_loop3A_190 = arith.index_cast %parallel_loop3A_184 : i32 to index
      %parallel_loop3A_191 = arith.index_cast %parallel_loop3A_189 : i32 to index
      %parallel_loop3A_192 = tpu.vector_load %arg7[%parallel_loop3A_190, %parallel_loop3A_191] {strides = array<i32>} : memref<100x128xi32, #tpu.memory_space<vmem>>, vector<16xi32>,
      %parallel_loop3A_193 = vector.shape_cast %parallel_loop3A_192 : vector<16xi32> to vector<16x1xi32>
      %parallel_loop3A_194 = vector.shape_cast %parallel_loop3A_193 : vector<16x1xi32> to vector<16xi32>
      %parallel_loop3A_195 = tpu.dynamic_gather %gather3A[%parallel_loop3A_194] in [0] : vector<16xf32>, vector<16xi32> -> vector<16xf32>
      %parallel_loop3A_196 = arith.constant 0 : i32
      %parallel_loop3A_197 = arith.index_cast %parallel_loop3A_184 : i32 to index
      %parallel_loop3A_198 = arith.index_cast %parallel_loop3A_196 : i32 to index
      %parallel_loop3A_199 = arith.index_cast %parallel_loop3A_189 : i32 to index
      %parallel_loop3A_200 = tpu.vector_load %arg9[%parallel_loop3A_197, %parallel_loop3A_198, %parallel_loop3A_199] {strides = array<i32>} : memref<100x4x128xf32, #tpu.memory_space<vmem>>, vector<16xf32>,
      tpu.vector_store %arg9[%parallel_loop3A_197, %parallel_loop3A_198, %parallel_loop3A_199], %parallel_loop3A_195 {strides = array<i32>} : memref<100x4x128xf32, #tpu.memory_space<vmem>>, vector<16xf32>,
      %parallel_loop3A_201 = vector.shape_cast %parallel_loop3A_192 : vector<16xi32> to vector<16x1xi32>
      %parallel_loop3A_202 = vector.shape_cast %parallel_loop3A_201 : vector<16x1xi32> to vector<16xi32>
      %parallel_loop3A_203 = tpu.dynamic_gather %gather3A_8[%parallel_loop3A_202] in [0] : vector<16xf32>, vector<16xi32> -> vector<16xf32>
      %parallel_loop3A_204 = arith.constant 1 : i32
      %parallel_loop3A_205 = arith.index_cast %parallel_loop3A_184 : i32 to index
      %parallel_loop3A_206 = arith.index_cast %parallel_loop3A_204 : i32 to index
      %parallel_loop3A_207 = arith.index_cast %parallel_loop3A_189 : i32 to index
      %parallel_loop3A_208 = tpu.vector_load %arg9[%parallel_loop3A_205, %parallel_loop3A_206, %parallel_loop3A_207] {strides = array<i32>} : memref<100x4x128xf32, #tpu.memory_space<vmem>>, vector<16xf32>,
      tpu.vector_store %arg9[%parallel_loop3A_205, %parallel_loop3A_206, %parallel_loop3A_207], %parallel_loop3A_203 {strides = array<i32>} : memref<100x4x128xf32, #tpu.memory_space<vmem>>, vector<16xf32>,
      %parallel_loop3A_209 = vector.shape_cast %parallel_loop3A_192 : vector<16xi32> to vector<16x1xi32>
      %parallel_loop3A_210 = vector.shape_cast %parallel_loop3A_209 : vector<16x1xi32> to vector<16xi32>
      %parallel_loop3A_211 = tpu.dynamic_gather %gather3A_11[%parallel_loop3A_210] in [0] : vector<16xf32>, vector<16xi32> -> vector<16xf32>
      %parallel_loop3A_212 = arith.constant 2 : i32
      %parallel_loop3A_213 = arith.index_cast %parallel_loop3A_184 : i32 to index
      %parallel_loop3A_214 = arith.index_cast %parallel_loop3A_212 : i32 to index
      %parallel_loop3A_215 = arith.index_cast %parallel_loop3A_189 : i32 to index
      %parallel_loop3A_216 = tpu.vector_load %arg9[%parallel_loop3A_213, %parallel_loop3A_214, %parallel_loop3A_215] {strides = array<i32>} : memref<100x4x128xf32, #tpu.memory_space<vmem>>, vector<16xf32>,
      tpu.vector_store %arg9[%parallel_loop3A_213, %parallel_loop3A_214, %parallel_loop3A_215], %parallel_loop3A_211 {strides = array<i32>} : memref<100x4x128xf32, #tpu.memory_space<vmem>>, vector<16xf32>,
      %parallel_loop3A_217 = vector.shape_cast %parallel_loop3A_192 : vector<16xi32> to vector<16x1xi32>
      %parallel_loop3A_218 = vector.shape_cast %parallel_loop3A_217 : vector<16x1xi32> to vector<16xi32>
      %parallel_loop3A_219 = tpu.dynamic_gather %gather3A_14[%parallel_loop3A_218] in [0] : vector<16xf32>, vector<16xi32> -> vector<16xf32>
      %parallel_loop3A_220 = arith.constant 3 : i32
      %parallel_loop3A_221 = arith.index_cast %parallel_loop3A_184 : i32 to index
      %parallel_loop3A_222 = arith.index_cast %parallel_loop3A_220 : i32 to index
      %parallel_loop3A_223 = arith.index_cast %parallel_loop3A_189 : i32 to index
      %parallel_loop3A_224 = tpu.vector_load %arg9[%parallel_loop3A_221, %parallel_loop3A_222, %parallel_loop3A_223] {strides = array<i32>} : memref<100x4x128xf32, #tpu.memory_space<vmem>>, vector<16xf32>,
      tpu.vector_store %arg9[%parallel_loop3A_221, %parallel_loop3A_222, %parallel_loop3A_223], %parallel_loop3A_219 {strides = array<i32>} : memref<100x4x128xf32, #tpu.memory_space<vmem>>, vector<16xf32>,
    } {sc.loop_unroll_factor = 4 : i64, sc.parallel_access}
    %mul3A_126 = arith.constant 4 : i32
    %mul3A_127 = arith.muli %add3A, %mul3A_126 : i32
    %add3A_128 = arith.constant 3 : i32
    %add3A_129 = arith.addi %mul3A_127, %add3A_128 : i32
    %dma_start3A_130 = arith.constant 0 : i32
    %dma_start3A_131 = arith.constant 0 : i32
    %dma_start3A_132 = arith.constant 0 : i32
    %dma_start3A_133 = tpu.memref_slice %arg4[%dma_start3A_130, %add3A_129, %dma_start3A_131, %dma_start3A_132] : memref<100x128x4x128xf32, #tpu.memory_space<hbm>> -> memref<100x1x4x128xf32, #tpu.memory_space<hbm>>
    %dma_start3A_134 = tpu.memref_squeeze %dma_start3A_133 : memref<100x1x4x128xf32, #tpu.memory_space<hbm>> -> memref<100x4x128xf32, #tpu.memory_space<hbm>>
    %dma_start3A_135 = arith.constant 0 : i32
    %dma_start3A_136 = arith.constant 0 : i32
    %dma_start3A_137 = arith.constant 0 : i32
    %dma_start3A_138 = tpu.memref_slice %arg4[%dma_start3A_135, %add3A_129, %dma_start3A_136, %dma_start3A_137] : memref<100x128x4x128xf32, #tpu.memory_space<hbm>> -> memref<100x1x4x128xf32, #tpu.memory_space<hbm>>
    %dma_start3A_139 = tpu.memref_squeeze %dma_start3A_138 : memref<100x1x4x128xf32, #tpu.memory_space<hbm>> -> memref<100x4x128xf32, #tpu.memory_space<hbm>>
    tpu.enqueue_dma source(%arg9 : memref<100x4x128xf32, #tpu.memory_space<vmem>>) target(%dma_start3A_139 : memref<100x4x128xf32, #tpu.memory_space<hbm>>) target_semaphore(%arg13 : memref<!tpu.dma_semaphore, #tpu.memory_space<semaphore_mem>>)
    %dma_wait3A_140 = arith.constant 0 : i32
    %dma_wait3A_141 = arith.constant 0 : i32
    %dma_wait3A_142 = arith.constant 0 : i32
    %dma_wait3A_143 = tpu.memref_slice %arg4[%dma_wait3A_140, %add3A_98, %dma_wait3A_141, %dma_wait3A_142] : memref<100x128x4x128xf32, #tpu.memory_space<hbm>> -> memref<100x1x4x128xf32, #tpu.memory_space<hbm>>
    %dma_wait3A_144 = tpu.memref_squeeze %dma_wait3A_143 : memref<100x1x4x128xf32, #tpu.memory_space<hbm>> -> memref<100x4x128xf32, #tpu.memory_space<hbm>>
    %dma_wait3A_145 = arith.constant 0 : i32
    %dma_wait3A_146 = arith.constant 0 : i32
    %dma_wait3A_147 = arith.constant 0 : i32
    %dma_wait3A_148 = tpu.memref_slice %arg4[%dma_wait3A_145, %add3A_98, %dma_wait3A_146, %dma_wait3A_147] : memref<100x128x4x128xf32, #tpu.memory_space<hbm>> -> memref<100x1x4x128xf32, #tpu.memory_space<hbm>>
    %dma_wait3A_149 = tpu.memref_squeeze %dma_wait3A_148 : memref<100x1x4x128xf32, #tpu.memory_space<hbm>> -> memref<100x4x128xf32, #tpu.memory_space<hbm>>
    tpu.wait_dma2 semaphore(%arg12 : memref<!tpu.dma_semaphore, #tpu.memory_space<semaphore_mem>>) src(%arg8 : memref<100x4x128xf32, #tpu.memory_space<vmem>>) dst(%dma_wait3A_149 : memref<100x4x128xf32, #tpu.memory_space<hbm>>)
    %dma_wait3A_150 = arith.constant 0 : i32
    %dma_wait3A_151 = arith.constant 0 : i32
    %dma_wait3A_152 = arith.constant 0 : i32
    %dma_wait3A_153 = tpu.memref_slice %arg4[%dma_wait3A_150, %add3A_129, %dma_wait3A_151, %dma_wait3A_152] : memref<100x128x4x128xf32, #tpu.memory_space<hbm>> -> memref<100x1x4x128xf32, #tpu.memory_space<hbm>>
    %dma_wait3A_154 = tpu.memref_squeeze %dma_wait3A_153 : memref<100x1x4x128xf32, #tpu.memory_space<hbm>> -> memref<100x4x128xf32, #tpu.memory_space<hbm>>
    %dma_wait3A_155 = arith.constant 0 : i32
    %dma_wait3A_156 = arith.constant 0 : i32
    %dma_wait3A_157 = arith.constant 0 : i32
    %dma_wait3A_158 = tpu.memref_slice %arg4[%dma_wait3A_155, %add3A_129, %dma_wait3A_156, %dma_wait3A_157] : memref<100x128x4x128xf32, #tpu.memory_space<hbm>> -> memref<100x1x4x128xf32, #tpu.memory_space<hbm>>
    %dma_wait3A_159 = tpu.memref_squeeze %dma_wait3A_158 : memref<100x1x4x128xf32, #tpu.memory_space<hbm>> -> memref<100x4x128xf32, #tpu.memory_space<hbm>>
    tpu.wait_dma2 semaphore(%arg13 : memref<!tpu.dma_semaphore, #tpu.memory_space<semaphore_mem>>) src(%arg9 : memref<100x4x128xf32, #tpu.memory_space<vmem>>) dst(%dma_wait3A_159 : memref<100x4x128xf32, #tpu.memory_space<hbm>>)
    return
  }
}

</mosaic_0001>

<sc_bundles>
// kernel: kernel.3.cloned.1.call-start
scs
__scs_entry_jumppad:
0x0: {  	(pc) =	sbr.rel $0x88, $3  }
0x1: {  	(tag) =	ssettag $0x0;
	lr =	simm.s32 $0x1  }
0x2: {  	[smem:$0x3F9F] =	sst lr;
	_ =	strace $0xD0000000  }
0x3: {  	_ = 	snop  }
0x4: {  	_ = 	snop  }
0x5: {  	_ = 	snop  }
0x6: {  	_ = 	snop  }
0x7: {  	_ = 	snop  }
__scs_overlays_trampoline_lowered:
0x8: {  	[smem:$0x3FAE] =	sst s0  }
0x9: {  	[smem:$0x3FAF] =	sst s1  }
0xa: {  	[smem:$0x3FB0] =	sst s2  }
0xb: {  	[smem:$0x3FB1] =	sst s3  }
0xc: {  	[smem:$0x3FB2] =	sst s4  }
0xd: {  	[smem:$0x3FB3] =	sst s5  }
0xe: {  	[smem:$0x3FB4] =	sst s6  }
0xf: {  	[smem:$0x3FB5] =	sst s7  }
0x10: {  	[smem:$0x3FB6] =	sst s8  }
0x11: {  	[smem:$0x3FB7] =	sst s9;
	s0 =	simm.s32 @!p0 $0x0  }
0x12: {  	s1 =	sld [smem:$0x3F9D];
	s0 =	simm.s32 @p0 $0x1  }
0x13: {  	[smem:$0x3FB8] =	sst s0;
	s0 =	simm.s32 @!p1 $0x0  }
0x14: {  	s2 =	sld [smem:$0x3F9C];
	s0 =	simm.s32 @p1 $0x1  }
0x15: {  	[smem:$0x3FB9] =	sst s0;
	s0 =	simm.s32 @!p2 $0x0  }
0x16: {  	s3 =	sld [smem:$0x3FDB];
	s0 =	simm.s32 @p2 $0x1  }
0x17: {  	s4 =	simm.s32 $0x1BF5;
	[smem:$0x3FBB] =	sst s0  }
0x18: {  	s0 =	sld [smem:$0x3F9E];
	_ =	swait.ge [sflag:s4], $0x0  }
0x19: {  	s7 =	sld [smem:$0x3F9F]  }
0x1a: {  	s8 =	sadd.s32 $0xFFFFE003, lr  }
0x1b: {  	s9 =	sadd.s32 $0xFFFFFEF7, lr;
	s5 =	simm.s32 $0xFFFFFFFF;
	p2 =	slt.u32 s8, $0xFFFFF086  }
0x1c: {  	p1 =	slt.u32 s9, $0xF7A;
	s5 =	simm.s32 @!p2 $0x0  }
0x1d: {  	s5 =	simm.s32 @p1 $0x1;
	p0 =	seq.s32 s7, s2  }
0x1e: {  	s7 =	smul.u32 @!p0 $0xF7A, s2;
	p2 =	seq.s32 @!p0 s5, $0x0  }
0x1f: {  	s9 =	smul.u32 $0xF7A, s1;
	s8 =	simm.s32 @!p0 $0x1BF5;
	p2 =	por !p2, p0  }
0x20: {  	[sflag:s8] =	ssyncset.s32 @!p0 $0xFFFFF086;
	s6 =	sadd.s32 @!p0 s3, s7;
	s7 =	simm.s32 @!p0 $0x108  }
0x21: {  	s3 =	sadd.s32 s3, s9;
	s6 =	sadd.s32 @!p0 $0x88, s6;
	s7 =	simm.s32 @p2 $0x1082  }
0x22: {  	[simem:s7], [sflag:s8] =	dma.local @!p0 [hbm:s6], $0xF7A  }
0x23: {  	s9 =	sor.u32 $0xD0000000, s2;
	s6 =	simm.s32 $0x108;
	_ =	swait.ge @!p0 [sflag:s8], $0x0  }
0x24: {  	s3 =	sadd.s32 $0x88, s3;
	s6 =	simm.s32 @!p1 $0x1082;
	[sflag:s4] =	ssyncset.s32 $0xFFFFF086  }
0x25: {  	[simem:s6], [sflag:s4] =	dma.local [hbm:s3], $0xF7A  }
0x26: {  	[smem:$0x3F9F] =	sst s1;
	(tag) =	ssettag s2;
	_ =	strace s9  }
0x27: {  	s1 =	sld [smem:$0x3FAF]  }
0x28: {  	s2 =	sld [smem:$0x3FB0]  }
0x29: {  	s4 =	sld [smem:$0x3FB2]  }
0x2a: {  	p0 =	seq.s32 s5, $0x0;
	s5 =	sld [smem:$0x3FB3]  }
0x2b: {  	s6 =	sld [smem:$0x3FB4]  }
0x2c: {  	s7 =	sld [smem:$0x3FB5]  }
0x2d: {  	s3 =	simm.s32 $0x108;
	s8 =	sld [smem:$0x3FB6]  }
0x2e: {  	s3 =	simm.s32 @!p0 $0x1082;
	s9 =	sld [smem:$0x3FB7]  }
0x2f: {  	lr =	sadd.s32 s0, s3;
	s0 =	sld [smem:$0x3FAE]  }
0x30: {  	s3 =	sld [smem:$0x3FB1]  }
0x31: {  	[smem:$0x3FBA] =	sst s10  }
0x32: {  	s10 =	sld [smem:$0x3FB8];
	_ =	sdelay $0x3  }
0x33: {  	p0 =	seq.s32 s10, $0x1;
	s10 =	sld [smem:$0x3FBA];
	_ =	sdelay $0x3  }
0x34: {  	[smem:$0x3FBA] =	sst s10  }
0x35: {  	s10 =	sld [smem:$0x3FB9];
	_ =	sdelay $0x3  }
0x36: {  	p1 =	seq.s32 s10, $0x1;
	s10 =	sld [smem:$0x3FBA];
	_ =	sdelay $0x3  }
0x37: {  	[smem:$0x3FBA] =	sst s10  }
0x38: {  	s10 =	sld [smem:$0x3FBB]  }
0x39: {  	_ = 	snop;
	(pc) =	sbr.ind lr, $3  }
0x3a: {  	_ = 	snop  }
0x3b: {  	_ = 	snop  }
0x3c: {  	p2 =	seq.s32 s10, $0x1;
	s10 =	sld [smem:$0x3FBA]  }
0x3d: {  	_ =	shalt  }
0x3e: {  	_ =	shalt  }
0x3f: {  	_ =	shalt  }
0x40: {  	_ =	shalt  }
0x41: {  	_ =	shalt  }
0x42: {  	_ =	shalt  }
0x43: {  	_ =	shalt  }
0x44: {  	_ =	shalt  }
0x45: {  	_ =	shalt  }
0x46: {  	_ =	shalt  }
0x47: {  	_ =	shalt  }
0x48: {  	_ =	shalt  }
0x49: {  	_ =	shalt  }
0x4a: {  	_ =	shalt  }
0x4b: {  	_ =	shalt  }
0x4c: {  	_ =	shalt  }
0x4d: {  	_ =	shalt  }
0x4e: {  	_ =	shalt  }
0x4f: {  	_ =	shalt  }
0x50: {  	_ =	shalt  }
0x51: {  	_ =	shalt  }
0x52: {  	_ =	shalt  }
0x53: {  	_ =	shalt  }
0x54: {  	_ =	shalt  }
0x55: {  	_ =	shalt  }
0x56: {  	_ =	shalt  }
0x57: {  	_ =	shalt  }
0x58: {  	_ =	shalt  }
0x59: {  	_ =	shalt  }
0x5a: {  	_ =	shalt  }
0x5b: {  	_ =	shalt  }
0x5c: {  	_ =	shalt  }
0x5d: {  	_ =	shalt  }
0x5e: {  	_ =	shalt  }
0x5f: {  	_ =	shalt  }
0x60: {  	_ =	shalt  }
0x61: {  	_ =	shalt  }
0x62: {  	_ =	shalt  }
0x63: {  	_ =	shalt  }
0x64: {  	_ =	shalt  }
0x65: {  	_ =	shalt  }
0x66: {  	_ =	shalt  }
0x67: {  	_ =	shalt  }
0x68: {  	_ =	shalt  }
0x69: {  	_ =	shalt  }
0x6a: {  	_ =	shalt  }
0x6b: {  	_ =	shalt  }
0x6c: {  	_ =	shalt  }
0x6d: {  	_ =	shalt  }
0x6e: {  	_ =	shalt  }
0x6f: {  	_ =	shalt  }
0x70: {  	_ =	shalt  }
0x71: {  	_ =	shalt  }
0x72: {  	_ =	shalt  }
0x73: {  	_ =	shalt  }
0x74: {  	_ =	shalt  }
0x75: {  	_ =	shalt  }
0x76: {  	_ =	shalt  }
0x77: {  	_ =	shalt  }
0x78: {  	_ =	shalt  }
0x79: {  	_ =	shalt  }
0x7a: {  	_ =	shalt  }
0x7b: {  	_ =	shalt  }
0x7c: {  	_ =	shalt  }
0x7d: {  	_ =	shalt  }
0x7e: {  	_ =	shalt  }
0x7f: {  	_ =	shalt  }
0x80: {  	_ =	shalt  }
0x81: {  	_ =	shalt  }
0x82: {  	_ =	shalt  }
0x83: {  	_ =	shalt  }
0x84: {  	_ =	shalt  }
0x85: {  	_ =	shalt  }
0x86: {  	_ =	shalt  }
0x87: {  	_ =	shalt  }
.Lfunc_end0:
.L_simem_size_0:
called_computation_lowered:
.L_overlay_start_0:
0x88: {  	s2 =	sld [smem:$0x3FD9]  }
0x89: {  	s3 =	sld [smem:$0x3FFE];
	_ =	sdelay $0x1  }
0x8a: {  	s1 =	srdreg.scid  }
0x8b: {  	s0 =	sand.u32 $0x1, s1  }
0x8c: {  	s17 =	sshll.u32 s0, $0xA;
	s2 =	sadd.s32 s3, s2  }
0x8d: {  	s2 =	sadd.s32 s2, s17  }
0x8e: {  	[smem:$0x3FC6] =	sst s2  }
0x8f: {  	_ = 	snop  }
0x90: {  	s2 =	sld [smem:$0x3FD0];
	(tm) =	ssettm $0x1  }
0x91: {  	s18 =	sld [smem:$0x3FFB];
	_ =	sdelay $0x3  }
0x92: {  	_ =	strace s18  }
0x93: {  	s3 =	sld [smem:$0x3FFC];
	_ =	sdelay $0x3  }
0x94: {  	_ =	strace s3  }
0x95: {  	s3 =	sld [smem:$0x3FFD];
	_ =	sdelay $0x3  }
0x96: {  	_ =	strace s3  }
0x97: {  	_ =	strace $0x8FFFFFFF  }
0x98: {  	s19 =	sld [smem:$0x3FDB];
	_ =	sdelay $0x1  }
0x99: {  	s4 =	simm.s32 $_scs_section_size  }
0x9a: {  	s5 =	simm.s32 $_size__tile_overlayer_lowered;
	s6 =	simm.s32 $_tile_overlayer_lowered  }
0x9b: {  	s22 =	simm.s32 $0x1BFF;
	s21 =	sshll.u32 s6, $0x1;
	s3 =	sadd.s32 s4, s19  }
0x9c: {  	s7 =	simm.s32 $0x0;
	s20 =	sshll.u32 s5, $0x1;
	s5 =	sadd.s32 s21, s3  }
0x9d: {  	[timem:s7], [sflag:s22] =	dma.local [hbm:s5], s20  }
0x9e: {  	_ =	swait.ge [sflag:s22], s20  }
0x9f: {  	s4 =	ssub.s32 $0x0, s20;
	[sflag:s22] =	ssyncset.done $0x0  }
0xa0: {  	[sflag:s22] =	ssyncadd.s32 s4;
	_ =	sdelay $0x1  }
0xa1: {  	s23 =	simm.s32 $0x1B8B  }
0xa2: {  	_ =	swait.ge [sflag:s23], $0x1  }
0xa3: {  	[sflag:s23] =	ssyncset.done $0x0  }
0xa4: {  	s25 =	simm.s32 $0x1B8E;
	s24 =	sld [smem:$0x3FFE];
	[sflag:s23] =	ssyncadd.s32 $0xFFFFFFFF  }
0xa5: {  	s26 =	simm.s32 $execute0_lowered;
	[smem:$0x3FD2] =	sst s25  }
0xa6: {  	s5 =	sshll.u32 s26, $0x1;
	_ =	strace $0x80000046;
	[dreg:$0x1] =	wrdreg $0xFFFFFFFF  }
0xa7: {  	s28 =	simm.s32 $_size_execute0_lowered;
	s3 =	sadd.s32 s3, s5;
	[dreg:$0x0] =	wrdreg $0x0  }
0xa8: {  	s5 =	sshll.u32 s28, $0x1;
	[dreg:$0x2] =	wrdreg s3  }
0xa9: {  	[dreg:$0x3] =	wrdreg s5  }
0xaa: {  	[dreg:$0x4] =	wrdreg $0xC0  }
0xab: {  	_ =	task [dreg:s7], $0x5FFFF  }
0xac: {  	[dreg:$0x1] =	wrdreg $0xFFFFFFFF  }
0xad: {  	[dreg:$0x0] =	wrdreg $0x60  }
0xae: {  	[dreg:$0x2] =	wrdreg s24  }
0xaf: {  	[dreg:$0x3] =	wrdreg s2  }
0xb0: {  	[dreg:$0x4] =	wrdreg $0x9  }
0xb1: {  	_ =	task.clear_ibuf [dreg:s7], $0x5FFFF;
	_ =	strace $0x90000046  }
0xb2: {  	s29 =	simm.s32 $0x9;
	_ =	strace $0x80000048  }
0xb3: {  	_ =	swait.ge [sflag:s29], $0x1  }
0xb4: {  	[sflag:s29] =	ssyncadd.s32 $0xFFFFFFFF  }
0xb5: {  	_ =	strace $0x90000048  }
0xb6: {  	_ =	sfence  }
0xb7: {  	s30 =	sld [smem:$0x0];
	_ =	sdelay $0x2  }
0xb8: {  	s31 =	sshll.u32 s1, $0xD;
	s1 =	sshrl.u32 s1, $0x2  }
0xb9: {  	s3 =	sand.u32 $0x4000, s31;
	s1 =	sadd.s32 s1, s30  }
0xba: {  	s0 =	sor.u32 s3, s0;
	s1 =	sshll.u32 s1, $0x11  }
0xbb: {  	s0 =	sor.u32 s1, s0  }
0xbc: {  	s0 =	sadd.s32 $0x8F2B, s0  }
0xbd: {  	[sflag:s0] =	ssyncadd.remote.s32 $0x1  }
0xbe: {  	_ =	sfence.sel $0xFFFF  }
0xbf: {  	[dreg:$0x0] =	wrdreg $0xFFFFFFFF;
	(pc) =	sbr.abs _section_cstart, $3  }
0xc0: {  	[dreg:$0x1] =	wrdreg $0xFFFFFFFF  }
0xc1: {  	_ =	task.clear_ibuf [dreg:s7], $0x2FFFF;
	_ =	strace $0x9FFFFFFF  }
0xc2: {  	(tm) =	ssettm $0x7FFFFFFF  }
0xc3: {  	_ =	shalt  }
tec
execute0_lowered:
.L_overlay_start_1:
0x0: {  	(tag) =	ssettag $0x1  }
0x1: {  	s4 =	rddreg [dreg:$0x0]  }
0x2: {  	s5 =	rddreg [dreg:$0x1];
	s2 =	simm.s32 $0x0;
	s3 =	srdreg.scid  }
0x3: {  	s0 =	stileid.u32;
	s13 =	simm.s32 $0x5;
	s14 =	simm.s32 $0x80  }
0x4: {  	s15 =	simm.s32 $0x4000;
	s16 =	simm.s32 $0x40;
	s17 =	simm.s32 $0x3240  }
0x5: {  	s18 =	simm.s32 $0x1;
	s19 =	simm.s32 $0x200;
	s20 =	simm.s32 $0x10000  }
0x6: {  	s21 =	simm.s32 $0x6440;
	s22 =	simm.s32 $0x2;
	s23 =	simm.s32 $0x12C40  }
0x7: {  	s24 =	simm.s32 $0x3;
	s25 =	simm.s32 $0x4;
	s26 =	simm.s32 $0x0  }
0x8: {  	[smem:$0x7FF] =	sst s2;
	s6 =	sand.u32 $0x1, s3;
	s30 =	sshll.u32 s0, $0x1  }
0x9: {  	s3 =	sadd.s32 $0x400, s4;
	s7 =	sor.u32 s6, s30;
	s6 =	ssub.s32 $0x2, s6  }
0xa: {  	v0 =	vlaneseq.u32;
	_ =	strace $0x80000047;
	s8 =	sshll.u32 s7, $0x6;
	s31 =	sshrl.u32 s6, $0x1  }
0xb: {  	v0 =	vand.u32 $0x7, v0;
	s7 =	sshll.u32 s7, $0x8;
	s9 =	sadd.s32 s8, s4;
	s12 =	ssub.s32 s6, s31  }
0xc: {  	v0 =	vmul.u32 $0x8, v0;
	s5 =	sadd.s32 s5, s7;
	s4 =	sadd.s32 $0x600, s9;
	s6 =	sadd.s32 $0x610, s9  }
0xd: {  	s7 =	sadd.s32 $0x620, s9;
	s8 =	sadd.s32 $0x40, s5;
	s9 =	sadd.s32 $0x630, s9  }
0xe: {  	v1 =	vor.u32 $0x1, v0;
	v2 =	vor.u32 $0x2, v0;
	v3 =	vor.u32 $0x3, v0;
	s10 =	sadd.s32 $0x80, s5;
	s11 =	sadd.s32 $0xC0, s5;
	s12 =	smax.u32 s12, $0x1  }
.LBB2_1:
0xf: {  	[tilespmem:s2], [sflag:$0x5] =	stream.linear.gather [hbm4b:s3+s2], $0x40, $0x38;
	[tilespmem:$0x1F440] =	vst v63  }
0x10: {  	_ =	swait.ge [sflag:s13], $0x40  }
0x11: {  	[sflag:s13] =	ssyncset.done $0x0  }
0x12: {  	[sflag:s13] =	ssyncadd.s32 $0xFFFFFFC0  }
0x13: {  	v4 =	vld.idx.msk [tilespmem:v0+s2+$0x0], $0xffff  }
0x14: {  	v5 =	vld.idx.msk [tilespmem:v1+s2+$0x0], $0xffff  }
0x15: {  	v6 =	vld.idx.msk [tilespmem:v2+s2+$0x0], $0xffff  }
0x16: {  	v7 =	vld.idx.msk [tilespmem:v3+s2+$0x0], $0xffff;
	[tilespmem:s16], [sflag:$0x1] =	stream.strided.gather [hbm4b:s4+s14], $0x3200, s15, s14, $0x38  }
0x17: {  	_ = 	snop  }
0x18: {  	[tilespmem:s17], [sflag:$0x2] =	stream.strided.gather [hbm4b:s6+s14], $0x3200, s15, s14, $0x38;
	[tilespmem:$0x1F440] =	vst v63  }
0x19: {  	_ =	swait.ge [sflag:s18], $0x3200  }
0x1a: {  	[sflag:s18] =	ssyncset.done $0x0  }
0x1b: {  	s29 =	simm.s32 $0x0;
	[sflag:s18] =	ssyncadd.s32 $0xFFFFCE00  }
0x1c: {  	v9 =	vld [tilespmem:s29+$0x70]  }
0x1d: {  	v10 =	vld [tilespmem:s29+$0x40]  }
0x1e: {  	s28 =	simm.s32 $0x0  }
0x1f: {  	s28 =	smul.u32 $0x600, s28  }
0x20: {  	v11 =	vld [tilespmem:s29+$0x50]  }
0x21: {  	s28 =	sshra.s32 s28, $0x2;
	v16 =	vld [tilespmem:s29+$0x60];
	v8 =	vperm.xlane v7, v9  }
0x22: {  	s28 =	sadd.s32 $0x0, s28;
	v12 =	vperm.xlane v4, v10  }
0x23: {  	v13 =	vperm.xlane v5, v10;
	[tilespmem:s28+$0x65F0] =	vst v8  }
0x24: {  	v14 =	vperm.xlane v6, v10;
	[tilespmem:s28+$0x6440] =	vst v12  }
0x25: {  	v10 =	vperm.xlane v7, v10;
	v17 =	vperm.xlane v5, v11;
	[tilespmem:s28+$0x64C0] =	vst v13  }
0x26: {  	v18 =	vperm.xlane v6, v11;
	v15 =	vperm.xlane v4, v16;
	[tilespmem:s28+$0x6540] =	vst v14  }
0x27: {  	v8 =	vperm.xlane v4, v9;
	v12 =	vperm.xlane v4, v11;
	[tilespmem:s28+$0x65C0] =	vst v10  }
0x28: {  	v14 =	vperm.xlane v7, v11;
	v13 =	vperm.xlane v5, v16;
	[tilespmem:s28+$0x64D0] =	vst v17  }
0x29: {  	v11 =	vperm.xlane v7, v16;
	v10 =	vperm.xlane v5, v9;
	[tilespmem:s28+$0x6550] =	vst v18  }
0x2a: {  	s30 =	simm.s32 $0x100;
	s31 =	simm.s32 $0x0;
	s29 =	simm.s32 $0x0;
	v9 =	vperm.xlane v6, v9;
	[tilespmem:s28+$0x6450] =	vst v12;
	v12 =	vperm.xlane v6, v16  }
.LBB2_2:
0x2b: {  	s0 =	sshra.s32 s30, $0x2;
	s29 =	sadd.s32 $0x4, s29;
	[tilespmem:s28+$0x65D0] =	vst v14  }
0x2c: {  	v16 =	vld [tilespmem:s0+$0x70];
	p0 =	slt.u32 s29, $0x31C;
	[tilespmem:s28+$0x6460] =	vst v15  }
0x2d: {  	s31 =	sadd.s32 $0x4, s31;
	v14 =	vld [tilespmem:s0+$0x40];
	[tilespmem:s28+$0x64E0] =	vst v13  }
0x2e: {  	s1 =	sshrl.u32 s31, $0x3;
	v13 =	vld [tilespmem:s0+$0x50];
	[tilespmem:s28+$0x6560] =	vst v12  }
0x2f: {  	s1 =	smul.u32 $0x600, s1;
	v17 =	vld [tilespmem:s0+$0x60];
	[tilespmem:s28+$0x65E0] =	vst v11  }
0x30: {  	[tilespmem:s28+$0x6470] =	vst v8  }
0x31: {  	s1 =	sshra.s32 s1, $0x2;
	v8 =	vperm.xlane v4, v16;
	v11 =	vperm.xlane v7, v16;
	[tilespmem:s28+$0x64F0] =	vst v10  }
0x32: {  	v10 =	vperm.xlane v4, v14;
	v12 =	vperm.xlane v5, v14;
	[tilespmem:s28+$0x6570] =	vst v9;
	s28 =	sadd.s32 s0, s1  }
0x33: {  	v9 =	vperm.xlane v6, v14;
	v18 =	vperm.xlane v7, v14;
	[tilespmem:s28+$0x65F0] =	vst v11  }
0x34: {  	v19 =	vperm.xlane v5, v13;
	[tilespmem:s28+$0x6440] =	vst v10;
	v10 =	vperm.xlane v4, v13  }
0x35: {  	v20 =	vperm.xlane v6, v13;
	v14 =	vperm.xlane v7, v13;
	[tilespmem:s28+$0x64C0] =	vst v12  }
.Ltmp0:
0x36: {  	v15 =	vperm.xlane v4, v17;
	v13 =	vperm.xlane v5, v17;
	[tilespmem:s28+$0x6540] =	vst v9;
	(pc) =	sbr.rel @p0 .LBB2_2-.Ltmp0, $4  }
0x37: {  	v11 =	vperm.xlane v7, v17;
	v12 =	vperm.xlane v6, v17;
	[tilespmem:s28+$0x65C0] =	vst v18  }
0x38: {  	v9 =	vperm.xlane v6, v16;
	[tilespmem:s28+$0x6450] =	vst v10;
	v10 =	vperm.xlane v5, v16  }
0x39: {  	[tilespmem:s28+$0x64D0] =	vst v19  }
0x3a: {  	s30 =	sadd.s32 $0x100, s30;
	[tilespmem:s28+$0x6550] =	vst v20  }
0x3b: {  	[tilespmem:s28+$0x65D0] =	vst v14  }
0x3c: {  	[tilespmem:s28+$0x6460] =	vst v15  }
0x3d: {  	[tilespmem:s28+$0x64E0] =	vst v13  }
0x3e: {  	[tilespmem:s28+$0x6560] =	vst v12  }
0x3f: {  	[tilespmem:s28+$0x65E0] =	vst v11  }
0x40: {  	[tilespmem:s28+$0x6470] =	vst v8  }
0x41: {  	[tilespmem:s28+$0x64F0] =	vst v10  }
0x42: {  	[tilespmem:s28+$0x6570] =	vst v9  }
0x43: {  	[hbm4b:s5+s19] =	stream.strided.scatter [tilespmem:s21], [sflag:$0x3], $0xC800, s20, s19, $0x38;
	[tilespmem:$0x1F440] =	vst v63  }
0x44: {  	_ = 	snop  }
0x45: {  	[tilespmem:s16], [sflag:$0x1] =	stream.strided.gather [hbm4b:s7+s14], $0x3200, s15, s14, $0x38;
	[tilespmem:$0x1F440] =	vst v63  }
0x46: {  	_ =	swait.ge [sflag:s22], $0x3200  }
0x47: {  	[sflag:s22] =	ssyncset.done $0x0  }
0x48: {  	s0 =	simm.s32 $0x0;
	[sflag:s22] =	ssyncadd.s32 $0xFFFFCE00  }
0x49: {  	v9 =	vld [tilespmem:s0+$0x3270]  }
0x4a: {  	s1 =	simm.s32 $0x0;
	v10 =	vld [tilespmem:s0+$0x3240]  }
0x4b: {  	s1 =	smul.u32 $0x600, s1;
	v11 =	vld [tilespmem:s0+$0x3250];
	_ =	sdelay $0x1  }
0x4c: {  	s1 =	sshra.s32 s1, $0x2  }
0x4d: {  	s1 =	sadd.s32 $0x0, s1;
	v16 =	vld [tilespmem:s0+$0x3260];
	v8 =	vperm.xlane v7, v9  }
0x4e: {  	s28 =	sadd.s32 $0x12C40, s1;
	v12 =	vperm.xlane v4, v10  }
0x4f: {  	v17 =	vperm.xlane v5, v11;
	[tilespmem:s28+$0x1B0] =	vst v8  }
0x50: {  	v18 =	vperm.xlane v6, v11;
	[tilespmem:s1+$0x12C40] =	vst v12  }
0x51: {  	v13 =	vperm.xlane v5, v10;
	v14 =	vperm.xlane v6, v10;
	[tilespmem:s28+$0x90] =	vst v17  }
0x52: {  	v10 =	vperm.xlane v7, v10;
	v15 =	vperm.xlane v4, v16;
	[tilespmem:s28+$0x110] =	vst v18  }
0x53: {  	v8 =	vperm.xlane v4, v9;
	v12 =	vperm.xlane v5, v16;
	[tilespmem:s28+$0x80] =	vst v13  }
0x54: {  	v13 =	vperm.xlane v4, v11;
	[tilespmem:s28+$0x100] =	vst v14;
	v14 =	vperm.xlane v7, v11  }
0x55: {  	[tilespmem:s28+$0x180] =	vst v10;
	v11 =	vperm.xlane v7, v16;
	v10 =	vperm.xlane v5, v9  }
0x56: {  	s29 =	simm.s32 $0x0;
	s30 =	simm.s32 $0x0;
	s31 =	simm.s32 $0x100;
	v9 =	vperm.xlane v6, v9;
	[tilespmem:s28+$0x10] =	vst v13;
	v13 =	vperm.xlane v6, v16  }
.LBB2_4:
0x57: {  	s0 =	sshra.s32 s31, $0x2;
	s30 =	sadd.s32 $0x4, s30;
	[tilespmem:s28+$0x190] =	vst v14  }
0x58: {  	s29 =	sadd.s32 $0x4, s29;
	v16 =	vld [tilespmem:s0+$0x3270];
	p0 =	slt.u32 s30, $0x31C;
	[tilespmem:s28+$0x20] =	vst v15  }
0x59: {  	s1 =	sshrl.u32 s29, $0x3;
	v14 =	vld [tilespmem:s0+$0x3240];
	[tilespmem:s28+$0xA0] =	vst v12  }
0x5a: {  	s1 =	smul.u32 $0x600, s1;
	v12 =	vld [tilespmem:s0+$0x3250];
	[tilespmem:s28+$0x120] =	vst v13  }
0x5b: {  	v17 =	vld [tilespmem:s0+$0x3260];
	[tilespmem:s28+$0x1A0] =	vst v11  }
0x5c: {  	s1 =	sshra.s32 s1, $0x2;
	[tilespmem:s28+$0x30] =	vst v8  }
0x5d: {  	s0 =	sadd.s32 s0, s1;
	v8 =	vperm.xlane v4, v16;
	v11 =	vperm.xlane v7, v16;
	[tilespmem:s28+$0xB0] =	vst v10  }
0x5e: {  	v10 =	vperm.xlane v4, v14;
	v13 =	vperm.xlane v5, v14;
	[tilespmem:s28+$0x130] =	vst v9;
	s28 =	sadd.s32 $0x12C40, s0  }
0x5f: {  	v9 =	vperm.xlane v6, v14;
	v18 =	vperm.xlane v7, v14;
	[tilespmem:s28+$0x1B0] =	vst v11  }
0x60: {  	v19 =	vperm.xlane v5, v12;
	[tilespmem:s0+$0x12C40] =	vst v10;
	v10 =	vperm.xlane v4, v12  }
0x61: {  	v20 =	vperm.xlane v6, v12;
	v14 =	vperm.xlane v7, v12;
	[tilespmem:s28+$0x80] =	vst v13  }
.Ltmp1:
0x62: {  	v15 =	vperm.xlane v4, v17;
	v12 =	vperm.xlane v5, v17;
	[tilespmem:s28+$0x100] =	vst v9;
	(pc) =	sbr.rel @p0 .LBB2_4-.Ltmp1, $4  }
0x63: {  	v11 =	vperm.xlane v7, v17;
	v13 =	vperm.xlane v6, v17;
	[tilespmem:s28+$0x180] =	vst v18  }
0x64: {  	v9 =	vperm.xlane v6, v16;
	[tilespmem:s28+$0x10] =	vst v10;
	v10 =	vperm.xlane v5, v16  }
0x65: {  	[tilespmem:s28+$0x90] =	vst v19  }
0x66: {  	s31 =	sadd.s32 $0x100, s31;
	[tilespmem:s28+$0x110] =	vst v20  }
0x67: {  	[tilespmem:s28+$0x190] =	vst v14  }
0x68: {  	[tilespmem:s28+$0x20] =	vst v15  }
0x69: {  	[tilespmem:s28+$0xA0] =	vst v12  }
0x6a: {  	[tilespmem:s28+$0x120] =	vst v13  }
0x6b: {  	[tilespmem:s28+$0x1A0] =	vst v11  }
0x6c: {  	[tilespmem:s28+$0x30] =	vst v8  }
0x6d: {  	[tilespmem:s28+$0xB0] =	vst v10  }
0x6e: {  	[tilespmem:s28+$0x130] =	vst v9  }
0x6f: {  	[hbm4b:s8+s19] =	stream.strided.scatter [tilespmem:s23], [sflag:$0x4], $0xC800, s20, s19, $0x38;
	[tilespmem:$0x1F440] =	vst v63  }
0x70: {  	_ = 	snop  }
0x71: {  	[tilespmem:s17], [sflag:$0x2] =	stream.strided.gather [hbm4b:s9+s14], $0x3200, s15, s14, $0x38;
	[tilespmem:$0x1F440] =	vst v63  }
0x72: {  	_ =	swait.ge [sflag:s18], $0x3200  }
0x73: {  	[sflag:s18] =	ssyncset.done $0x0  }
0x74: {  	[sflag:s18] =	ssyncadd.s32 $0xFFFFCE00  }
0x75: {  	_ =	swait.ge [sflag:s24], $0xC800  }
0x76: {  	[sflag:s24] =	ssyncset.done $0x0  }
0x77: {  	s0 =	simm.s32 $0x0;
	[sflag:s24] =	ssyncadd.s32 $0xFFFF3800  }
0x78: {  	v9 =	vld [tilespmem:s0+$0x70]  }
0x79: {  	v10 =	vld [tilespmem:s0+$0x40]  }
0x7a: {  	s1 =	simm.s32 $0x0  }
0x7b: {  	s1 =	smul.u32 $0x600, s1  }
0x7c: {  	v11 =	vld [tilespmem:s0+$0x50]  }
0x7d: {  	s1 =	sshra.s32 s1, $0x2;
	v16 =	vld [tilespmem:s0+$0x60];
	v8 =	vperm.xlane v7, v9  }
0x7e: {  	s28 =	sadd.s32 $0x0, s1;
	v12 =	vperm.xlane v4, v10  }
0x7f: {  	v13 =	vperm.xlane v5, v10;
	[tilespmem:s28+$0x65F0] =	vst v8  }
0x80: {  	v14 =	vperm.xlane v6, v10;
	[tilespmem:s28+$0x6440] =	vst v12  }
0x81: {  	v10 =	vperm.xlane v7, v10;
	v17 =	vperm.xlane v5, v11;
	[tilespmem:s28+$0x64C0] =	vst v13  }
0x82: {  	v18 =	vperm.xlane v6, v11;
	v15 =	vperm.xlane v4, v16;
	[tilespmem:s28+$0x6540] =	vst v14  }
0x83: {  	v8 =	vperm.xlane v4, v9;
	v12 =	vperm.xlane v4, v11;
	[tilespmem:s28+$0x65C0] =	vst v10  }
0x84: {  	v14 =	vperm.xlane v7, v11;
	v13 =	vperm.xlane v5, v16;
	[tilespmem:s28+$0x64D0] =	vst v17  }
0x85: {  	v11 =	vperm.xlane v7, v16;
	v10 =	vperm.xlane v5, v9;
	[tilespmem:s28+$0x6550] =	vst v18  }
0x86: {  	s29 =	simm.s32 $0x0;
	s30 =	simm.s32 $0x0;
	s31 =	simm.s32 $0x100;
	v9 =	vperm.xlane v6, v9;
	[tilespmem:s28+$0x6450] =	vst v12;
	v12 =	vperm.xlane v6, v16  }
.LBB2_6:
0x87: {  	s0 =	sshra.s32 s31, $0x2;
	s30 =	sadd.s32 $0x4, s30;
	[tilespmem:s28+$0x65D0] =	vst v14  }
0x88: {  	v16 =	vld [tilespmem:s0+$0x70];
	p0 =	slt.u32 s30, $0x31C;
	[tilespmem:s28+$0x6460] =	vst v15  }
0x89: {  	s29 =	sadd.s32 $0x4, s29;
	v14 =	vld [tilespmem:s0+$0x40];
	[tilespmem:s28+$0x64E0] =	vst v13  }
0x8a: {  	s1 =	sshrl.u32 s29, $0x3;
	v13 =	vld [tilespmem:s0+$0x50];
	[tilespmem:s28+$0x6560] =	vst v12  }
0x8b: {  	s1 =	smul.u32 $0x600, s1;
	v17 =	vld [tilespmem:s0+$0x60];
	[tilespmem:s28+$0x65E0] =	vst v11  }
0x8c: {  	[tilespmem:s28+$0x6470] =	vst v8  }
0x8d: {  	s1 =	sshra.s32 s1, $0x2;
	v8 =	vperm.xlane v4, v16;
	v11 =	vperm.xlane v7, v16;
	[tilespmem:s28+$0x64F0] =	vst v10  }
0x8e: {  	v10 =	vperm.xlane v4, v14;
	v12 =	vperm.xlane v5, v14;
	[tilespmem:s28+$0x6570] =	vst v9;
	s28 =	sadd.s32 s0, s1  }
0x8f: {  	v9 =	vperm.xlane v6, v14;
	v18 =	vperm.xlane v7, v14;
	[tilespmem:s28+$0x65F0] =	vst v11  }
0x90: {  	v19 =	vperm.xlane v5, v13;
	[tilespmem:s28+$0x6440] =	vst v10;
	v10 =	vperm.xlane v4, v13  }
0x91: {  	v20 =	vperm.xlane v6, v13;
	v14 =	vperm.xlane v7, v13;
	[tilespmem:s28+$0x64C0] =	vst v12  }
.Ltmp2:
0x92: {  	v15 =	vperm.xlane v4, v17;
	v13 =	vperm.xlane v5, v17;
	[tilespmem:s28+$0x6540] =	vst v9;
	(pc) =	sbr.rel @p0 .LBB2_6-.Ltmp2, $4  }
0x93: {  	v11 =	vperm.xlane v7, v17;
	v12 =	vperm.xlane v6, v17;
	[tilespmem:s28+$0x65C0] =	vst v18  }
0x94: {  	v9 =	vperm.xlane v6, v16;
	[tilespmem:s28+$0x6450] =	vst v10;
	v10 =	vperm.xlane v5, v16  }
0x95: {  	[tilespmem:s28+$0x64D0] =	vst v19  }
0x96: {  	s31 =	sadd.s32 $0x100, s31;
	[tilespmem:s28+$0x6550] =	vst v20  }
0x97: {  	[tilespmem:s28+$0x65D0] =	vst v14  }
0x98: {  	[tilespmem:s28+$0x6460] =	vst v15  }
0x99: {  	[tilespmem:s28+$0x64E0] =	vst v13  }
0x9a: {  	[tilespmem:s28+$0x6560] =	vst v12  }
0x9b: {  	[tilespmem:s28+$0x65E0] =	vst v11  }
0x9c: {  	[tilespmem:s28+$0x6470] =	vst v8  }
0x9d: {  	[tilespmem:s28+$0x64F0] =	vst v10  }
0x9e: {  	[tilespmem:s28+$0x6570] =	vst v9  }
0x9f: {  	[hbm4b:s10+s19] =	stream.strided.scatter [tilespmem:s21], [sflag:$0x3], $0xC800, s20, s19, $0x38;
	[tilespmem:$0x1F440] =	vst v63  }
0xa0: {  	_ =	swait.ge [sflag:s22], $0x3200  }
0xa1: {  	[sflag:s22] =	ssyncset.done $0x0  }
0xa2: {  	[sflag:s22] =	ssyncadd.s32 $0xFFFFCE00  }
0xa3: {  	_ =	swait.ge [sflag:s25], $0xC800  }
0xa4: {  	[sflag:s25] =	ssyncset.done $0x0  }
0xa5: {  	s0 =	simm.s32 $0x0;
	[sflag:s25] =	ssyncadd.s32 $0xFFFF3800  }
0xa6: {  	v9 =	vld [tilespmem:s0+$0x3270]  }
0xa7: {  	s1 =	simm.s32 $0x0;
	v10 =	vld [tilespmem:s0+$0x3240]  }
0xa8: {  	s1 =	smul.u32 $0x600, s1;
	v11 =	vld [tilespmem:s0+$0x3250];
	_ =	sdelay $0x1  }
0xa9: {  	s1 =	sshra.s32 s1, $0x2  }
0xaa: {  	s1 =	sadd.s32 $0x0, s1;
	v16 =	vld [tilespmem:s0+$0x3260];
	v8 =	vperm.xlane v7, v9  }
0xab: {  	s28 =	sadd.s32 $0x12C40, s1;
	v12 =	vperm.xlane v4, v10  }
0xac: {  	v17 =	vperm.xlane v5, v11;
	[tilespmem:s28+$0x1B0] =	vst v8  }
0xad: {  	v18 =	vperm.xlane v6, v11;
	[tilespmem:s1+$0x12C40] =	vst v12  }
0xae: {  	v13 =	vperm.xlane v5, v10;
	v14 =	vperm.xlane v6, v10;
	[tilespmem:s28+$0x90] =	vst v17  }
0xaf: {  	v10 =	vperm.xlane v7, v10;
	v15 =	vperm.xlane v4, v16;
	[tilespmem:s28+$0x110] =	vst v18  }
0xb0: {  	v8 =	vperm.xlane v4, v9;
	v12 =	vperm.xlane v5, v16;
	[tilespmem:s28+$0x80] =	vst v13  }
0xb1: {  	v13 =	vperm.xlane v4, v11;
	[tilespmem:s28+$0x100] =	vst v14;
	v14 =	vperm.xlane v7, v11  }
0xb2: {  	[tilespmem:s28+$0x180] =	vst v10;
	v11 =	vperm.xlane v7, v16;
	v10 =	vperm.xlane v5, v9  }
0xb3: {  	s29 =	simm.s32 $0x0;
	s30 =	simm.s32 $0x0;
	s31 =	simm.s32 $0x100;
	v9 =	vperm.xlane v6, v9;
	[tilespmem:s28+$0x10] =	vst v13;
	v13 =	vperm.xlane v6, v16  }
.LBB2_8:
0xb4: {  	s0 =	sshra.s32 s31, $0x2;
	s30 =	sadd.s32 $0x4, s30;
	[tilespmem:s28+$0x190] =	vst v14  }
0xb5: {  	s29 =	sadd.s32 $0x4, s29;
	v16 =	vld [tilespmem:s0+$0x3270];
	p0 =	slt.u32 s30, $0x31C;
	[tilespmem:s28+$0x20] =	vst v15  }
0xb6: {  	s1 =	sshrl.u32 s29, $0x3;
	v14 =	vld [tilespmem:s0+$0x3240];
	[tilespmem:s28+$0xA0] =	vst v12  }
0xb7: {  	s1 =	smul.u32 $0x600, s1;
	v12 =	vld [tilespmem:s0+$0x3250];
	[tilespmem:s28+$0x120] =	vst v13  }
0xb8: {  	v17 =	vld [tilespmem:s0+$0x3260];
	[tilespmem:s28+$0x1A0] =	vst v11  }
0xb9: {  	s1 =	sshra.s32 s1, $0x2;
	[tilespmem:s28+$0x30] =	vst v8  }
0xba: {  	s0 =	sadd.s32 s0, s1;
	v8 =	vperm.xlane v4, v16;
	v11 =	vperm.xlane v7, v16;
	[tilespmem:s28+$0xB0] =	vst v10  }
0xbb: {  	v10 =	vperm.xlane v4, v14;
	v13 =	vperm.xlane v5, v14;
	[tilespmem:s28+$0x130] =	vst v9;
	s28 =	sadd.s32 $0x12C40, s0  }
0xbc: {  	v9 =	vperm.xlane v6, v14;
	v18 =	vperm.xlane v7, v14;
	[tilespmem:s28+$0x1B0] =	vst v11  }
0xbd: {  	v19 =	vperm.xlane v5, v12;
	[tilespmem:s0+$0x12C40] =	vst v10;
	v10 =	vperm.xlane v4, v12  }
0xbe: {  	v20 =	vperm.xlane v6, v12;
	v14 =	vperm.xlane v7, v12;
	[tilespmem:s28+$0x80] =	vst v13  }
.Ltmp3:
0xbf: {  	v15 =	vperm.xlane v4, v17;
	v12 =	vperm.xlane v5, v17;
	[tilespmem:s28+$0x100] =	vst v9;
	(pc) =	sbr.rel @p0 .LBB2_8-.Ltmp3, $4  }
0xc0: {  	v11 =	vperm.xlane v7, v17;
	v13 =	vperm.xlane v6, v17;
	[tilespmem:s28+$0x180] =	vst v18  }
0xc1: {  	v9 =	vperm.xlane v6, v16;
	[tilespmem:s28+$0x10] =	vst v10;
	v10 =	vperm.xlane v5, v16  }
0xc2: {  	[tilespmem:s28+$0x90] =	vst v19  }
0xc3: {  	s31 =	sadd.s32 $0x100, s31;
	[tilespmem:s28+$0x110] =	vst v20  }
0xc4: {  	[tilespmem:s28+$0x190] =	vst v14  }
0xc5: {  	[tilespmem:s28+$0x20] =	vst v15  }
0xc6: {  	[tilespmem:s28+$0xA0] =	vst v12  }
0xc7: {  	[tilespmem:s28+$0x120] =	vst v13  }
0xc8: {  	[tilespmem:s28+$0x1A0] =	vst v11  }
0xc9: {  	[tilespmem:s28+$0x30] =	vst v8  }
0xca: {  	[tilespmem:s28+$0xB0] =	vst v10  }
0xcb: {  	[tilespmem:s28+$0x130] =	vst v9;
	s26 =	sadd.s32 $0x1, s26  }
0xcc: {  	[hbm4b:s11+s19] =	stream.strided.scatter [tilespmem:s23], [sflag:$0x4], $0xC800, s20, s19, $0x38;
	[tilespmem:$0x1F440] =	vst v63  }
0xcd: {  	p0 =	sne.s32 s26, s12;
	_ =	swait.ge [sflag:s24], $0xC800  }
.Ltmp4:
0xce: {  	[sflag:s24] =	ssyncset.done $0x0;
	(pc) =	sbr.rel @p0 .LBB2_1-.Ltmp4, $4  }
0xcf: {  	[sflag:s24] =	ssyncadd.s32 $0xFFFF3800  }
0xd0: {  	_ =	swait.ge [sflag:s25], $0xC800  }
0xd1: {  	[sflag:s25] =	ssyncset.done $0x0  }
0xd2: {  	[sflag:s25] =	ssyncadd.s32 $0xFFFF3800  }
0xd3: {  	_ =	sfence.sel $0x180000  }
0xd4: {  	[bflag:$0x0] =	sbarrier.arrive $0xFFFF  }
0xd5: {  	_ =	strace $0x90000047  }
0xd6: {  	s0 =	stileid.u32;
	[bflag:$0x2] =	sbarrier.arrive $0xFFFF  }
0xd7: {  	p0 =	sne.s32 s0, $0x0;
	s0 =	rddreg [dreg:$0x2]  }
0xd8: {  	s0 =	sadd.s32 @!p0 $0x100000, s0  }
0xd9: {  	[sflag:s0] =	ssyncadd.tile.s32 @!p0 $0x1;
	_ =	shalt  }
.Lfunc_end2:
_tile_overlayer_lowered:
.L_overlay_start_2:
0xda: {  	(tag) =	ssettag $0x2  }
0xdb: {  	s0 =	rddreg [dreg:$0x0];
	s2 =	stileid.u32  }
0xdc: {  	s1 =	rddreg [dreg:$0x1];
	p0 =	sne.s32 s2, $0x0  }
0xdd: {  	s3 =	rddreg [dreg:$0x2];
	[bflag:$0x3] =	sbarrier.arrive $0xFFFF;
	s2 =	simm.s32 @!p0 $0x1C05  }
0xde: {  	[timem:s3], [sflag:s2] =	dma.local @!p0 [hbm:s0], s1  }
0xdf: {  	s0 =	simm.s32 @!p0 $0x5  }
0xe0: {  	_ =	swait.ge @!p0 [sflag:s0], s1  }
0xe1: {  	s1 =	ssub.s32 @!p0 $0x0, s1;
	[sflag:s0] =	ssyncset.done @!p0 $0x0  }
0xe2: {  	[sflag:s0] =	ssyncadd.s32 @!p0 s1  }
0xe3: {  	[bflag:$0x3] =	sbarrier.arrive $0xFFFF  }
0xe4: {  	_ =	shalt  }

</sc_bundles>
